<compile_context>
chip_gen: v7x
topology: tpu7x:2x2x1
jax: 0.10.2.dev20260603
libtpu: 0.0.44.dev20260713+nightly
codegen_flags: <defaults>
</compile_context>

<pallas_src>
import functools

import jax
import jax.numpy as jnp
from jax import lax
from jax.experimental import pallas as pl
from jax.experimental.pallas import tpu as pltpu
from jax.experimental.pallas import tpu_sc as plsc

B, S, H, V = 4, 2048, 1024, 50257
NC, NS = 2, 16
NW = NC * NS
SEQ_PER_W = S // NW
P = 8
NCH = SEQ_PER_W // P
ROWS = B * P
LANES = 16
UNROLL = 8


def _emb_body(x_hbm, tab_hbm, pos_hbm, out_hbm, idx_v, sb_v, pos_v,
              isem0, isem1, osem0, osem1):
    wid = lax.axis_index("s") * NC + lax.axis_index("c")
    s0 = wid * SEQ_PER_W
    isems = (isem0, isem1)
    osems = (osem0, osem1)

    pltpu.sync_copy(x_hbm.at[wid], idx_v)

    def in_descs(c, buf):
        return [
            pltpu.make_async_copy(pos_hbm.at[pl.ds(s0 + c * P, P)],
                                  pos_v.at[buf], isems[buf]),
            pltpu.make_async_copy(tab_hbm.at[idx_v.at[c]],
                                  sb_v.at[buf], isems[buf]),
        ]

    def out_descs(c, buf):
        return [pltpu.make_async_copy(
                    sb_v.at[buf, pl.ds(b * P, P)],
                    out_hbm.at[b, pl.ds(s0 + c * P, P)], osems[buf])
                for b in range(B)]

    def start(descs):
        for d in descs:
            d.start()

    start(in_descs(0, 0))

    def pair_body(i, _):
        for sub in range(2):
            c = 2 * i + sub
            buf = sub
            obuf = 1 - sub

            @pl.when(c + 1 < NCH)
            def _():
                @pl.when(c >= 1)
                def _():
                    for d in out_descs(c - 1, obuf):
                        d.wait()

                start(in_descs(c + 1, obuf))

            for d in in_descs(c, buf):
                d.wait()

            @plsc.parallel_loop(0, P * (H // LANES), unroll=UNROLL)
            def _(k):
                r = lax.shift_right_logical(k, 6)
                off = pl.multiple_of(
                    lax.shift_left(lax.bitwise_and(k, 63), 4), LANES)
                sl = pl.ds(off, LANES)
                p = pos_v[buf, r, sl]
                for b in range(B):
                    plsc.addupdate(sb_v.at[buf, b * P + r, sl], p)

            start(out_descs(c, buf))
        return 0

    lax.fori_loop(0, NCH // 2, pair_body, 0)

    for c in (NCH - 2, NCH - 1):
        for d in out_descs(c, c % 2):
            d.wait()


@jax.jit
def _emb(x2d, table, pos):
    mesh = plsc.VectorSubcoreMesh(core_axis_name="c", subcore_axis_name="s")
    f = functools.partial(
        pl.kernel,
        mesh=mesh,
        out_type=jax.ShapeDtypeStruct((B, S, H), jnp.float32),
        scratch_types=[
            pltpu.VMEM((NCH, ROWS), jnp.int32),
            pltpu.VMEM((2, ROWS, H), jnp.float32),
            pltpu.VMEM((2, P, H), jnp.float32),
            pltpu.SemaphoreType.DMA,
            pltpu.SemaphoreType.DMA,
            pltpu.SemaphoreType.DMA,
            pltpu.SemaphoreType.DMA,
        ],
    )(_emb_body)
    return f(x2d, table, pos)


def kernel(x, token_table, pos_emb):
    pos = pos_emb.reshape(S, H)
    x2 = (x.astype(jnp.int32)
          .reshape(B, NW, NCH, P)
          .transpose(1, 2, 0, 3)
          .reshape(NW, NCH, ROWS))
    return _emb(x2, token_table, pos)

# --- scband reference (transcript-rebuilt; emitter-appended) ---
"""Pipeline reference for scband-gpt2-embedding-83494164234390 (READ-ONLY COPY).

The authoritative reference and input builder live on the scoring server;
editing this copy changes nothing except your own understanding.
"""

import jax, jax.numpy as jnp
import numpy as np

VOCAB_SIZE = 50257
HIDDEN_SIZE = 1024
MAX_SEQ_LEN = 2048
BATCH = 4
SEQ_LEN = 2048

def setup_inputs(seed: int = 0) -> dict:
    key = jax.random.key(seed)
    k1, k2, k3 = jax.random.split(key, 3)
    x = jax.random.randint(k1, (BATCH, SEQ_LEN), 0, VOCAB_SIZE, dtype=jnp.int64 if jax.config.jax_enable_x64 else jnp.int32)
    token_table = jax.random.normal(k2, (VOCAB_SIZE, HIDDEN_SIZE), dtype=jnp.float32) * 0.02
    pos_emb = jax.random.normal(k3, (1, MAX_SEQ_LEN, HIDDEN_SIZE), dtype=jnp.float32) * 0.02
    return {"x": x, "token_table": token_table, "pos_emb": pos_emb}

def reference(x, token_table, pos_emb):
    # token embedding lookup (gather)
    tok_emb = jnp.take(token_table, x, axis=0)  # [B, S, H]
    # positional embedding slice
    seq_len = x.shape[1]
    pe = pos_emb[:, :seq_len, :]  # [1, S, H]
    # dropout is identity in eval mode
    return tok_emb + pe

if __name__ == "__main__":
    import jax
    _d = setup_inputs()
    print(jax.jit(kernel)(*tuple(_d.values())))

</pallas_src>

<mosaic_0001>
#map = affine_map<(d0, d1) -> (0, 0, 0)>
#map1 = affine_map<(d0, d1) -> (0, 0)>
module attributes {stable_mosaic.version = 14 : i64} {
  func.func @_emb_body(%arg0: i32, %arg1: i32, %arg2: memref<32x8x32xi32, #tpu.memory_space<hbm>>, %arg3: memref<50257x1024xf32, #tpu.memory_space<hbm>>, %arg4: memref<2048x1024xf32, #tpu.memory_space<hbm>>, %arg5: memref<4x2048x1024xf32, #tpu.memory_space<hbm>>, %arg6: memref<8x32xi32, #tpu.memory_space<vmem>>, %arg7: memref<2x32x1024xf32, #tpu.memory_space<vmem>>, %arg8: memref<2x8x1024xf32, #tpu.memory_space<vmem>>, %arg9: memref<!tpu.dma_semaphore, #tpu.memory_space<semaphore_mem>>, %arg10: memref<!tpu.dma_semaphore, #tpu.memory_space<semaphore_mem>>, %arg11: memref<!tpu.dma_semaphore, #tpu.memory_space<semaphore_mem>>, %arg12: memref<!tpu.dma_semaphore, #tpu.memory_space<semaphore_mem>>) attributes {dimension_semantics = [#tpu.dimension_semantics<core_parallel>, #tpu.dimension_semantics<subcore_parallel>], iteration_bounds = array<i64: 2, 16>, scalar_prefetch = 0 : i64, scratch_operands = 7 : i64, tpu.core_type = #tpu.core_type<sc_vector_subcore>, window_params = [{transform_indices = #map}, {transform_indices = #map1}, {transform_indices = #map1}, {transform_indices = #map}]} {
    %mul3A = arith.constant 2 : i32
    %mul3A_0 = arith.muli %arg1, %mul3A : i32
    %add3A = arith.addi %mul3A_0, %arg0 : i32
    %mul3A_1 = arith.constant 64 : i32
    %mul3A_2 = arith.muli %add3A, %mul3A_1 : i32
    "tpu.region"() ({
      %run_scoped3A = tpu.sem_alloc : memref<!tpu.dma_semaphore, #tpu.memory_space<semaphore_mem>>
      %dma_start3A_178 = arith.constant 0 : i32
      %dma_start3A_179 = arith.constant 0 : i32
      %dma_start3A_180 = tpu.memref_slice %arg2[%add3A, %dma_start3A_178, %dma_start3A_179] : memref<32x8x32xi32, #tpu.memory_space<hbm>> -> memref<1x8x32xi32, #tpu.memory_space<hbm>>
      %dma_start3A_181 = tpu.memref_squeeze %dma_start3A_180 : memref<1x8x32xi32, #tpu.memory_space<hbm>> -> memref<8x32xi32, #tpu.memory_space<hbm>>
      %dma_start3A_182 = arith.constant 0 : i32
      %dma_start3A_183 = arith.constant 0 : i32
      %dma_start3A_184 = tpu.memref_slice %arg2[%add3A, %dma_start3A_182, %dma_start3A_183] : memref<32x8x32xi32, #tpu.memory_space<hbm>> -> memref<1x8x32xi32, #tpu.memory_space<hbm>>
      %dma_start3A_185 = tpu.memref_squeeze %dma_start3A_184 : memref<1x8x32xi32, #tpu.memory_space<hbm>> -> memref<8x32xi32, #tpu.memory_space<hbm>>
      tpu.enqueue_dma source(%dma_start3A_185 : memref<8x32xi32, #tpu.memory_space<hbm>>) target(%arg6 : memref<8x32xi32, #tpu.memory_space<vmem>>) target_semaphore(%run_scoped3A : memref<!tpu.dma_semaphore, #tpu.memory_space<semaphore_mem>>)
      %dma_wait3A_186 = arith.constant 0 : i32
      %dma_wait3A_187 = arith.constant 0 : i32
      %dma_wait3A_188 = tpu.memref_slice %arg2[%add3A, %dma_wait3A_186, %dma_wait3A_187] : memref<32x8x32xi32, #tpu.memory_space<hbm>> -> memref<1x8x32xi32, #tpu.memory_space<hbm>>
      %dma_wait3A_189 = tpu.memref_squeeze %dma_wait3A_188 : memref<1x8x32xi32, #tpu.memory_space<hbm>> -> memref<8x32xi32, #tpu.memory_space<hbm>>
      %dma_wait3A_190 = arith.constant 0 : i32
      %dma_wait3A_191 = arith.constant 0 : i32
      %dma_wait3A_192 = tpu.memref_slice %arg2[%add3A, %dma_wait3A_190, %dma_wait3A_191] : memref<32x8x32xi32, #tpu.memory_space<hbm>> -> memref<1x8x32xi32, #tpu.memory_space<hbm>>
      %dma_wait3A_193 = tpu.memref_squeeze %dma_wait3A_192 : memref<1x8x32xi32, #tpu.memory_space<hbm>> -> memref<8x32xi32, #tpu.memory_space<hbm>>
      tpu.wait_dma2 semaphore(%run_scoped3A : memref<!tpu.dma_semaphore, #tpu.memory_space<semaphore_mem>>) src(%dma_wait3A_193 : memref<8x32xi32, #tpu.memory_space<hbm>>) dst(%arg6 : memref<8x32xi32, #tpu.memory_space<vmem>>)
      tpu.yield
    }) : () -> ()
    %add3A_3 = arith.constant 0 : i32
    %add3A_4 = arith.addi %mul3A_2, %add3A_3 : i32
    %dma_start3A = arith.constant 0 : i32
    %dma_start3A_5 = arith.constant 0 : i32
    %dma_start3A_6 = arith.constant 0 : i32
    %dma_start3A_7 = tpu.memref_slice %arg8[%dma_start3A, %dma_start3A_5, %dma_start3A_6] : memref<2x8x1024xf32, #tpu.memory_space<vmem>> -> memref<1x8x1024xf32, #tpu.memory_space<vmem>>
    %dma_start3A_8 = tpu.memref_squeeze %dma_start3A_7 : memref<1x8x1024xf32, #tpu.memory_space<vmem>> -> memref<8x1024xf32, #tpu.memory_space<vmem>>
    %dma_start3A_9 = arith.constant 0 : i32
    %dma_start3A_10 = tpu.memref_slice %arg4[%add3A_4, %dma_start3A_9] : memref<2048x1024xf32, #tpu.memory_space<hbm>> -> memref<8x1024xf32, #tpu.memory_space<hbm>>
    %dma_start3A_11 = arith.constant 0 : i32
    %dma_start3A_12 = arith.constant 0 : i32
    %dma_start3A_13 = tpu.memref_slice %arg8[%dma_start3A, %dma_start3A_11, %dma_start3A_12] : memref<2x8x1024xf32, #tpu.memory_space<vmem>> -> memref<1x8x1024xf32, #tpu.memory_space<vmem>>
    %dma_start3A_14 = tpu.memref_squeeze %dma_start3A_13 : memref<1x8x1024xf32, #tpu.memory_space<vmem>> -> memref<8x1024xf32, #tpu.memory_space<vmem>>
    %dma_start3A_15 = arith.constant 0 : i32
    %dma_start3A_16 = tpu.memref_slice %arg4[%add3A_4, %dma_start3A_15] : memref<2048x1024xf32, #tpu.memory_space<hbm>> -> memref<8x1024xf32, #tpu.memory_space<hbm>>
    tpu.enqueue_dma source(%dma_start3A_16 : memref<8x1024xf32, #tpu.memory_space<hbm>>) target(%dma_start3A_14 : memref<8x1024xf32, #tpu.memory_space<vmem>>) target_semaphore(%arg9 : memref<!tpu.dma_semaphore, #tpu.memory_space<semaphore_mem>>)
    %dma_start3A_17 = arith.constant 0 : i32
    %dma_start3A_18 = arith.constant 0 : i32
    %dma_start3A_19 = arith.constant 0 : i32
    %dma_start3A_20 = arith.constant 0 : i32
    %dma_start3A_21 = tpu.memref_slice %arg7[%dma_start3A_18, %dma_start3A_19, %dma_start3A_20] : memref<2x32x1024xf32, #tpu.memory_space<vmem>> -> memref<1x32x1024xf32, #tpu.memory_space<vmem>>
    %dma_start3A_22 = tpu.memref_squeeze %dma_start3A_21 : memref<1x32x1024xf32, #tpu.memory_space<vmem>> -> memref<32x1024xf32, #tpu.memory_space<vmem>>
    %dma_start3A_23 = arith.constant 0 : i32
    %dma_start3A_24 = tpu.memref_slice %arg6[%dma_start3A_17, %dma_start3A_23] : memref<8x32xi32, #tpu.memory_space<vmem>> -> memref<1x32xi32, #tpu.memory_space<vmem>>
    %dma_start3A_25 = tpu.memref_squeeze %dma_start3A_24 : memref<1x32xi32, #tpu.memory_space<vmem>> -> memref<32xi32, #tpu.memory_space<vmem>>
    %dma_start3A_26 = arith.constant 0 : i32
    %dma_start3A_27 = arith.constant 0 : i32
    %dma_start3A_28 = tpu.memref_slice %arg3[%dma_start3A_26, %dma_start3A_27] : memref<50257x1024xf32, #tpu.memory_space<hbm>> -> memref<50257x1024xf32, #tpu.memory_space<hbm>>
    tpu.enqueue_indirect_dma source(%dma_start3A_28 : memref<50257x1024xf32, #tpu.memory_space<hbm>>) target(%dma_start3A_22 : memref<32x1024xf32, #tpu.memory_space<vmem>>) offsets(%dma_start3A_25 : memref<32xi32, #tpu.memory_space<vmem>>) semaphore(%arg9 : memref<!tpu.dma_semaphore, #tpu.memory_space<semaphore_mem>>)
    %scan3A = arith.constant 0 : i32
    %scan3A_29 = arith.constant 0 : i32
    %scan3A_30 = arith.constant 4 : i32
    %scan3A_31 = arith.addi %scan3A_29, %scan3A_30 : i32
    %scan3A_32 = arith.constant 1 : i32
    %scan3A_33 = scf.for %scan3A_178 = %scan3A_29 to %scan3A_31 step %scan3A_32 iter_args(%scan3A_179 = %scan3A) -> (i32)  : i32 {
      %mul3A_180 = arith.constant 2 : i32
      %mul3A_181 = arith.muli %mul3A_180, %scan3A_178 : i32
      %add3A_182 = arith.constant 0 : i32
      %add3A_183 = arith.addi %mul3A_181, %add3A_182 : i32
      %add3A_184 = arith.constant 1 : i32
      %add3A_185 = arith.addi %add3A_183, %add3A_184 : i32
      %lt3A = arith.constant 8 : i32
      %lt3A_186 = arith.cmpi slt, %add3A_185, %lt3A : i32
      %convert_element_type3A = arith.extui %lt3A_186 : i1 to i32
      %cond3A = arith.constant 0 : i32
      %cond3A_187 = arith.cmpi ne, %convert_element_type3A, %cond3A : i32
      scf.if %cond3A_187 {
        %ge3A = arith.constant 1 : i32
        %ge3A_411 = arith.cmpi sge, %add3A_183, %ge3A : i32
        %convert_element_type3A_412 = arith.extui %ge3A_411 : i1 to i32
        %cond3A_413 = arith.constant 0 : i32
        %cond3A_414 = arith.cmpi ne, %convert_element_type3A_412, %cond3A_413 : i32
        scf.if %cond3A_414 {
          %sub3A = arith.constant 1 : i32
          %sub3A_444 = arith.subi %add3A_183, %sub3A : i32
          %mul3A_445 = arith.constant 8 : i32
          %mul3A_446 = arith.muli %sub3A_444, %mul3A_445 : i32
          %add3A_447 = arith.addi %mul3A_2, %mul3A_446 : i32
          %mul3A_448 = arith.constant 8 : i32
          %mul3A_449 = arith.muli %sub3A_444, %mul3A_448 : i32
          %add3A_450 = arith.addi %mul3A_2, %mul3A_449 : i32
          %mul3A_451 = arith.constant 8 : i32
          %mul3A_452 = arith.muli %sub3A_444, %mul3A_451 : i32
          %add3A_453 = arith.addi %mul3A_2, %mul3A_452 : i32
          %mul3A_454 = arith.constant 8 : i32
          %mul3A_455 = arith.muli %sub3A_444, %mul3A_454 : i32
          %add3A_456 = arith.addi %mul3A_2, %mul3A_455 : i32
          %dma_wait3A_457 = arith.constant 1 : i32
          %dma_wait3A_458 = arith.constant 0 : i32
          %dma_wait3A_459 = arith.constant 0 : i32
          %dma_wait3A_460 = arith.constant 0 : i32
          %dma_wait3A_461 = tpu.memref_slice %arg7[%dma_wait3A_457, %dma_wait3A_459, %dma_wait3A_460] : memref<2x32x1024xf32, #tpu.memory_space<vmem>> -> memref<1x8x1024xf32, #tpu.memory_space<vmem>>
          %dma_wait3A_462 = tpu.memref_squeeze %dma_wait3A_461 : memref<1x8x1024xf32, #tpu.memory_space<vmem>> -> memref<8x1024xf32, #tpu.memory_space<vmem>>
          %dma_wait3A_463 = arith.constant 0 : i32
          %dma_wait3A_464 = tpu.memref_slice %arg5[%dma_wait3A_458, %add3A_447, %dma_wait3A_463] : memref<4x2048x1024xf32, #tpu.memory_space<hbm>> -> memref<1x8x1024xf32, #tpu.memory_space<hbm>>
          %dma_wait3A_465 = tpu.memref_squeeze %dma_wait3A_464 : memref<1x8x1024xf32, #tpu.memory_space<hbm>> -> memref<8x1024xf32, #tpu.memory_space<hbm>>
          %dma_wait3A_466 = arith.constant 0 : i32
          %dma_wait3A_467 = tpu.memref_slice %arg5[%dma_wait3A_458, %add3A_447, %dma_wait3A_466] : memref<4x2048x1024xf32, #tpu.memory_space<hbm>> -> memref<1x8x1024xf32, #tpu.memory_space<hbm>>
          %dma_wait3A_468 = tpu.memref_squeeze %dma_wait3A_467 : memref<1x8x1024xf32, #tpu.memory_space<hbm>> -> memref<8x1024xf32, #tpu.memory_space<hbm>>
          %dma_wait3A_469 = arith.constant 0 : i32
          %dma_wait3A_470 = arith.constant 0 : i32
          %dma_wait3A_471 = tpu.memref_slice %arg7[%dma_wait3A_457, %dma_wait3A_469, %dma_wait3A_470] : memref<2x32x1024xf32, #tpu.memory_space<vmem>> -> memref<1x8x1024xf32, #tpu.memory_space<vmem>>
          %dma_wait3A_472 = tpu.memref_squeeze %dma_wait3A_471 : memref<1x8x1024xf32, #tpu.memory_space<vmem>> -> memref<8x1024xf32, #tpu.memory_space<vmem>>
          tpu.wait_dma2 semaphore(%arg12 : memref<!tpu.dma_semaphore, #tpu.memory_space<semaphore_mem>>) src(%dma_wait3A_472 : memref<8x1024xf32, #tpu.memory_space<vmem>>) dst(%dma_wait3A_468 : memref<8x1024xf32, #tpu.memory_space<hbm>>)
          %dma_wait3A_473 = arith.constant 1 : i32
          %dma_wait3A_474 = arith.constant 1 : i32
          %dma_wait3A_475 = arith.constant 8 : i32
          %dma_wait3A_476 = arith.constant 0 : i32
          %dma_wait3A_477 = tpu.memref_slice %arg7[%dma_wait3A_473, %dma_wait3A_475, %dma_wait3A_476] : memref<2x32x1024xf32, #tpu.memory_space<vmem>> -> memref<1x8x1024xf32, #tpu.memory_space<vmem>>
          %dma_wait3A_478 = tpu.memref_squeeze %dma_wait3A_477 : memref<1x8x1024xf32, #tpu.memory_space<vmem>> -> memref<8x1024xf32, #tpu.memory_space<vmem>>
          %dma_wait3A_479 = arith.constant 0 : i32
          %dma_wait3A_480 = tpu.memref_slice %arg5[%dma_wait3A_474, %add3A_450, %dma_wait3A_479] : memref<4x2048x1024xf32, #tpu.memory_space<hbm>> -> memref<1x8x1024xf32, #tpu.memory_space<hbm>>
          %dma_wait3A_481 = tpu.memref_squeeze %dma_wait3A_480 : memref<1x8x1024xf32, #tpu.memory_space<hbm>> -> memref<8x1024xf32, #tpu.memory_space<hbm>>
          %dma_wait3A_482 = arith.constant 0 : i32
          %dma_wait3A_483 = tpu.memref_slice %arg5[%dma_wait3A_474, %add3A_450, %dma_wait3A_482] : memref<4x2048x1024xf32, #tpu.memory_space<hbm>> -> memref<1x8x1024xf32, #tpu.memory_space<hbm>>
          %dma_wait3A_484 = tpu.memref_squeeze %dma_wait3A_483 : memref<1x8x1024xf32, #tpu.memory_space<hbm>> -> memref<8x1024xf32, #tpu.memory_space<hbm>>
          %dma_wait3A_485 = arith.constant 8 : i32
          %dma_wait3A_486 = arith.constant 0 : i32
          %dma_wait3A_487 = tpu.memref_slice %arg7[%dma_wait3A_473, %dma_wait3A_485, %dma_wait3A_486] : memref<2x32x1024xf32, #tpu.memory_space<vmem>> -> memref<1x8x1024xf32, #tpu.memory_space<vmem>>
          %dma_wait3A_488 = tpu.memref_squeeze %dma_wait3A_487 : memref<1x8x1024xf32, #tpu.memory_space<vmem>> -> memref<8x1024xf32, #tpu.memory_space<vmem>>
          tpu.wait_dma2 semaphore(%arg12 : memref<!tpu.dma_semaphore, #tpu.memory_space<semaphore_mem>>) src(%dma_wait3A_488 : memref<8x1024xf32, #tpu.memory_space<vmem>>) dst(%dma_wait3A_484 : memref<8x1024xf32, #tpu.memory_space<hbm>>)
          %dma_wait3A_489 = arith.constant 1 : i32
          %dma_wait3A_490 = arith.constant 2 : i32
          %dma_wait3A_491 = arith.constant 16 : i32
          %dma_wait3A_492 = arith.constant 0 : i32
          %dma_wait3A_493 = tpu.memref_slice %arg7[%dma_wait3A_489, %dma_wait3A_491, %dma_wait3A_492] : memref<2x32x1024xf32, #tpu.memory_space<vmem>> -> memref<1x8x1024xf32, #tpu.memory_space<vmem>>
          %dma_wait3A_494 = tpu.memref_squeeze %dma_wait3A_493 : memref<1x8x1024xf32, #tpu.memory_space<vmem>> -> memref<8x1024xf32, #tpu.memory_space<vmem>>
          %dma_wait3A_495 = arith.constant 0 : i32
          %dma_wait3A_496 = tpu.memref_slice %arg5[%dma_wait3A_490, %add3A_453, %dma_wait3A_495] : memref<4x2048x1024xf32, #tpu.memory_space<hbm>> -> memref<1x8x1024xf32, #tpu.memory_space<hbm>>
          %dma_wait3A_497 = tpu.memref_squeeze %dma_wait3A_496 : memref<1x8x1024xf32, #tpu.memory_space<hbm>> -> memref<8x1024xf32, #tpu.memory_space<hbm>>
          %dma_wait3A_498 = arith.constant 0 : i32
          %dma_wait3A_499 = tpu.memref_slice %arg5[%dma_wait3A_490, %add3A_453, %dma_wait3A_498] : memref<4x2048x1024xf32, #tpu.memory_space<hbm>> -> memref<1x8x1024xf32, #tpu.memory_space<hbm>>
          %dma_wait3A_500 = tpu.memref_squeeze %dma_wait3A_499 : memref<1x8x1024xf32, #tpu.memory_space<hbm>> -> memref<8x1024xf32, #tpu.memory_space<hbm>>
          %dma_wait3A_501 = arith.constant 16 : i32
          %dma_wait3A_502 = arith.constant 0 : i32
          %dma_wait3A_503 = tpu.memref_slice %arg7[%dma_wait3A_489, %dma_wait3A_501, %dma_wait3A_502] : memref<2x32x1024xf32, #tpu.memory_space<vmem>> -> memref<1x8x1024xf32, #tpu.memory_space<vmem>>
          %dma_wait3A_504 = tpu.memref_squeeze %dma_wait3A_503 : memref<1x8x1024xf32, #tpu.memory_space<vmem>> -> memref<8x1024xf32, #tpu.memory_space<vmem>>
          tpu.wait_dma2 semaphore(%arg12 : memref<!tpu.dma_semaphore, #tpu.memory_space<semaphore_mem>>) src(%dma_wait3A_504 : memref<8x1024xf32, #tpu.memory_space<vmem>>) dst(%dma_wait3A_500 : memref<8x1024xf32, #tpu.memory_space<hbm>>)
          %dma_wait3A_505 = arith.constant 1 : i32
          %dma_wait3A_506 = arith.constant 3 : i32
          %dma_wait3A_507 = arith.constant 24 : i32
          %dma_wait3A_508 = arith.constant 0 : i32
          %dma_wait3A_509 = tpu.memref_slice %arg7[%dma_wait3A_505, %dma_wait3A_507, %dma_wait3A_508] : memref<2x32x1024xf32, #tpu.memory_space<vmem>> -> memref<1x8x1024xf32, #tpu.memory_space<vmem>>
          %dma_wait3A_510 = tpu.memref_squeeze %dma_wait3A_509 : memref<1x8x1024xf32, #tpu.memory_space<vmem>> -> memref<8x1024xf32, #tpu.memory_space<vmem>>
          %dma_wait3A_511 = arith.constant 0 : i32
          %dma_wait3A_512 = tpu.memref_slice %arg5[%dma_wait3A_506, %add3A_456, %dma_wait3A_511] : memref<4x2048x1024xf32, #tpu.memory_space<hbm>> -> memref<1x8x1024xf32, #tpu.memory_space<hbm>>
          %dma_wait3A_513 = tpu.memref_squeeze %dma_wait3A_512 : memref<1x8x1024xf32, #tpu.memory_space<hbm>> -> memref<8x1024xf32, #tpu.memory_space<hbm>>
          %dma_wait3A_514 = arith.constant 0 : i32
          %dma_wait3A_515 = tpu.memref_slice %arg5[%dma_wait3A_506, %add3A_456, %dma_wait3A_514] : memref<4x2048x1024xf32, #tpu.memory_space<hbm>> -> memref<1x8x1024xf32, #tpu.memory_space<hbm>>
          %dma_wait3A_516 = tpu.memref_squeeze %dma_wait3A_515 : memref<1x8x1024xf32, #tpu.memory_space<hbm>> -> memref<8x1024xf32, #tpu.memory_space<hbm>>
          %dma_wait3A_517 = arith.constant 24 : i32
          %dma_wait3A_518 = arith.constant 0 : i32
          %dma_wait3A_519 = tpu.memref_slice %arg7[%dma_wait3A_505, %dma_wait3A_517, %dma_wait3A_518] : memref<2x32x1024xf32, #tpu.memory_space<vmem>> -> memref<1x8x1024xf32, #tpu.memory_space<vmem>>
          %dma_wait3A_520 = tpu.memref_squeeze %dma_wait3A_519 : memref<1x8x1024xf32, #tpu.memory_space<vmem>> -> memref<8x1024xf32, #tpu.memory_space<vmem>>
          tpu.wait_dma2 semaphore(%arg12 : memref<!tpu.dma_semaphore, #tpu.memory_space<semaphore_mem>>) src(%dma_wait3A_520 : memref<8x1024xf32, #tpu.memory_space<vmem>>) dst(%dma_wait3A_516 : memref<8x1024xf32, #tpu.memory_space<hbm>>)
        } else {
        }
        %add3A_415 = arith.constant 1 : i32
        %add3A_416 = arith.addi %add3A_183, %add3A_415 : i32
        %mul3A_417 = arith.constant 8 : i32
        %mul3A_418 = arith.muli %add3A_416, %mul3A_417 : i32
        %add3A_419 = arith.addi %mul3A_2, %mul3A_418 : i32
        %dma_start3A_420 = arith.constant 1 : i32
        %dma_start3A_421 = arith.constant 0 : i32
        %dma_start3A_422 = arith.constant 0 : i32
        %dma_start3A_423 = tpu.memref_slice %arg8[%dma_start3A_420, %dma_start3A_421, %dma_start3A_422] : memref<2x8x1024xf32, #tpu.memory_space<vmem>> -> memref<1x8x1024xf32, #tpu.memory_space<vmem>>
        %dma_start3A_424 = tpu.memref_squeeze %dma_start3A_423 : memref<1x8x1024xf32, #tpu.memory_space<vmem>> -> memref<8x1024xf32, #tpu.memory_space<vmem>>
        %dma_start3A_425 = arith.constant 0 : i32
        %dma_start3A_426 = tpu.memref_slice %arg4[%add3A_419, %dma_start3A_425] : memref<2048x1024xf32, #tpu.memory_space<hbm>> -> memref<8x1024xf32, #tpu.memory_space<hbm>>
        %dma_start3A_427 = arith.constant 0 : i32
        %dma_start3A_428 = arith.constant 0 : i32
        %dma_start3A_429 = tpu.memref_slice %arg8[%dma_start3A_420, %dma_start3A_427, %dma_start3A_428] : memref<2x8x1024xf32, #tpu.memory_space<vmem>> -> memref<1x8x1024xf32, #tpu.memory_space<vmem>>
        %dma_start3A_430 = tpu.memref_squeeze %dma_start3A_429 : memref<1x8x1024xf32, #tpu.memory_space<vmem>> -> memref<8x1024xf32, #tpu.memory_space<vmem>>
        %dma_start3A_431 = arith.constant 0 : i32
        %dma_start3A_432 = tpu.memref_slice %arg4[%add3A_419, %dma_start3A_431] : memref<2048x1024xf32, #tpu.memory_space<hbm>> -> memref<8x1024xf32, #tpu.memory_space<hbm>>
        tpu.enqueue_dma source(%dma_start3A_432 : memref<8x1024xf32, #tpu.memory_space<hbm>>) target(%dma_start3A_430 : memref<8x1024xf32, #tpu.memory_space<vmem>>) target_semaphore(%arg10 : memref<!tpu.dma_semaphore, #tpu.memory_space<semaphore_mem>>)
        %dma_start3A_433 = arith.constant 1 : i32
        %dma_start3A_434 = arith.constant 0 : i32
        %dma_start3A_435 = arith.constant 0 : i32
        %dma_start3A_436 = tpu.memref_slice %arg7[%dma_start3A_433, %dma_start3A_434, %dma_start3A_435] : memref<2x32x1024xf32, #tpu.memory_space<vmem>> -> memref<1x32x1024xf32, #tpu.memory_space<vmem>>
        %dma_start3A_437 = tpu.memref_squeeze %dma_start3A_436 : memref<1x32x1024xf32, #tpu.memory_space<vmem>> -> memref<32x1024xf32, #tpu.memory_space<vmem>>
        %dma_start3A_438 = arith.constant 0 : i32
        %dma_start3A_439 = tpu.memref_slice %arg6[%add3A_416, %dma_start3A_438] : memref<8x32xi32, #tpu.memory_space<vmem>> -> memref<1x32xi32, #tpu.memory_space<vmem>>
        %dma_start3A_440 = tpu.memref_squeeze %dma_start3A_439 : memref<1x32xi32, #tpu.memory_space<vmem>> -> memref<32xi32, #tpu.memory_space<vmem>>
        %dma_start3A_441 = arith.constant 0 : i32
        %dma_start3A_442 = arith.constant 0 : i32
        %dma_start3A_443 = tpu.memref_slice %arg3[%dma_start3A_441, %dma_start3A_442] : memref<50257x1024xf32, #tpu.memory_space<hbm>> -> memref<50257x1024xf32, #tpu.memory_space<hbm>>
        tpu.enqueue_indirect_dma source(%dma_start3A_443 : memref<50257x1024xf32, #tpu.memory_space<hbm>>) target(%dma_start3A_437 : memref<32x1024xf32, #tpu.memory_space<vmem>>) offsets(%dma_start3A_440 : memref<32xi32, #tpu.memory_space<vmem>>) semaphore(%arg10 : memref<!tpu.dma_semaphore, #tpu.memory_space<semaphore_mem>>)
      } else {
      }
      %mul3A_188 = arith.constant 8 : i32
      %mul3A_189 = arith.muli %add3A_183, %mul3A_188 : i32
      %add3A_190 = arith.addi %mul3A_2, %mul3A_189 : i32
      %dma_wait3A_191 = arith.constant 0 : i32
      %dma_wait3A_192 = arith.constant 0 : i32
      %dma_wait3A_193 = arith.constant 0 : i32
      %dma_wait3A_194 = tpu.memref_slice %arg8[%dma_wait3A_191, %dma_wait3A_192, %dma_wait3A_193] : memref<2x8x1024xf32, #tpu.memory_space<vmem>> -> memref<1x8x1024xf32, #tpu.memory_space<vmem>>
      %dma_wait3A_195 = tpu.memref_squeeze %dma_wait3A_194 : memref<1x8x1024xf32, #tpu.memory_space<vmem>> -> memref<8x1024xf32, #tpu.memory_space<vmem>>
      %dma_wait3A_196 = arith.constant 0 : i32
      %dma_wait3A_197 = tpu.memref_slice %arg4[%add3A_190, %dma_wait3A_196] : memref<2048x1024xf32, #tpu.memory_space<hbm>> -> memref<8x1024xf32, #tpu.memory_space<hbm>>
      %dma_wait3A_198 = arith.constant 0 : i32
      %dma_wait3A_199 = arith.constant 0 : i32
      %dma_wait3A_200 = tpu.memref_slice %arg8[%dma_wait3A_191, %dma_wait3A_198, %dma_wait3A_199] : memref<2x8x1024xf32, #tpu.memory_space<vmem>> -> memref<1x8x1024xf32, #tpu.memory_space<vmem>>
      %dma_wait3A_201 = tpu.memref_squeeze %dma_wait3A_200 : memref<1x8x1024xf32, #tpu.memory_space<vmem>> -> memref<8x1024xf32, #tpu.memory_space<vmem>>
      %dma_wait3A_202 = arith.constant 0 : i32
      %dma_wait3A_203 = tpu.memref_slice %arg4[%add3A_190, %dma_wait3A_202] : memref<2048x1024xf32, #tpu.memory_space<hbm>> -> memref<8x1024xf32, #tpu.memory_space<hbm>>
      tpu.wait_dma2 semaphore(%arg9 : memref<!tpu.dma_semaphore, #tpu.memory_space<semaphore_mem>>) src(%dma_wait3A_203 : memref<8x1024xf32, #tpu.memory_space<hbm>>) dst(%dma_wait3A_201 : memref<8x1024xf32, #tpu.memory_space<vmem>>)
      %dma_wait3A_204 = arith.constant 0 : i32
      %dma_wait3A_205 = arith.constant 0 : i32
      %dma_wait3A_206 = arith.constant 0 : i32
      %dma_wait3A_207 = tpu.memref_slice %arg7[%dma_wait3A_204, %dma_wait3A_205, %dma_wait3A_206] : memref<2x32x1024xf32, #tpu.memory_space<vmem>> -> memref<1x32x1024xf32, #tpu.memory_space<vmem>>
      %dma_wait3A_208 = tpu.memref_squeeze %dma_wait3A_207 : memref<1x32x1024xf32, #tpu.memory_space<vmem>> -> memref<32x1024xf32, #tpu.memory_space<vmem>>
      %dma_wait3A_209 = arith.constant 0 : i32
      %dma_wait3A_210 = tpu.memref_slice %arg6[%add3A_183, %dma_wait3A_209] : memref<8x32xi32, #tpu.memory_space<vmem>> -> memref<1x32xi32, #tpu.memory_space<vmem>>
      %dma_wait3A_211 = tpu.memref_squeeze %dma_wait3A_210 : memref<1x32xi32, #tpu.memory_space<vmem>> -> memref<32xi32, #tpu.memory_space<vmem>>
      %dma_wait3A_212 = arith.constant 0 : i32
      %dma_wait3A_213 = arith.constant 0 : i32
      %dma_wait3A_214 = tpu.memref_slice %arg3[%dma_wait3A_212, %dma_wait3A_213] : memref<50257x1024xf32, #tpu.memory_space<hbm>> -> memref<50257x1024xf32, #tpu.memory_space<hbm>>
      tpu.wait_indirect_dma semaphore(%arg9 : memref<!tpu.dma_semaphore, #tpu.memory_space<semaphore_mem>>) src(%dma_wait3A_214 : memref<50257x1024xf32, #tpu.memory_space<hbm>>) dst(%dma_wait3A_208 : memref<32x1024xf32, #tpu.memory_space<vmem>>)
      %parallel_loop3A = arith.constant 0 : i32
      %parallel_loop3A_215 = arith.constant 512 : i32
      %parallel_loop3A_216 = arith.constant 1 : i32
      scf.for %parallel_loop3A_411 = %parallel_loop3A to %parallel_loop3A_215 step %parallel_loop3A_216  : i32 {
        %parallel_loop3A_412 = arith.constant 6 : i32
        %parallel_loop3A_413 = arith.shrui %parallel_loop3A_411, %parallel_loop3A_412 : i32
        %parallel_loop3A_414 = arith.constant 63 : i32
        %parallel_loop3A_415 = arith.andi %parallel_loop3A_411, %parallel_loop3A_414 : i32
        %parallel_loop3A_416 = arith.constant 4 : i32
        %parallel_loop3A_417 = arith.shli %parallel_loop3A_415, %parallel_loop3A_416 : i32
        %parallel_loop3A_418 = tpu.assume_multiple %parallel_loop3A_417, 16 : i32
        %parallel_loop3A_419 = arith.constant 0 : i32
        %parallel_loop3A_420 = arith.index_cast %parallel_loop3A_419 : i32 to index
        %parallel_loop3A_421 = arith.index_cast %parallel_loop3A_413 : i32 to index
        %parallel_loop3A_422 = arith.index_cast %parallel_loop3A_418 : i32 to index
        %parallel_loop3A_423 = tpu.vector_load %arg8[%parallel_loop3A_420, %parallel_loop3A_421, %parallel_loop3A_422] {strides = array<i32>} : memref<2x8x1024xf32, #tpu.memory_space<vmem>>, vector<1x1x16xf32>,
        %parallel_loop3A_424 = vector.shape_cast %parallel_loop3A_423 : vector<1x1x16xf32> to vector<16xf32>
        %parallel_loop3A_425 = arith.constant 0 : i32
        %parallel_loop3A_426 = arith.addi %parallel_loop3A_425, %parallel_loop3A_413 : i32
        %parallel_loop3A_427 = arith.constant 0 : i32
        %parallel_loop3A_428 = arith.index_cast %parallel_loop3A_427 : i32 to index
        %parallel_loop3A_429 = arith.index_cast %parallel_loop3A_426 : i32 to index
        %parallel_loop3A_430 = arith.index_cast %parallel_loop3A_418 : i32 to index
        %parallel_loop3A_431 = tpu.vector_load %arg7[%parallel_loop3A_428, %parallel_loop3A_429, %parallel_loop3A_430] {strides = array<i32>} : memref<2x32x1024xf32, #tpu.memory_space<vmem>>, vector<1x1x16xf32>,
        %parallel_loop3A_432 = vector.shape_cast %parallel_loop3A_431 : vector<1x1x16xf32> to vector<16xf32>
        %parallel_loop3A_433 = vector.shape_cast %parallel_loop3A_424 : vector<16xf32> to vector<1x1x16xf32>
        tpu.vector_store %arg7[%parallel_loop3A_428, %parallel_loop3A_429, %parallel_loop3A_430], %parallel_loop3A_433 {add = true, strides = array<i32>} : memref<2x32x1024xf32, #tpu.memory_space<vmem>>, vector<1x1x16xf32>,
        %parallel_loop3A_434 = arith.constant 8 : i32
        %parallel_loop3A_435 = arith.addi %parallel_loop3A_434, %parallel_loop3A_413 : i32
        %parallel_loop3A_436 = arith.constant 0 : i32
        %parallel_loop3A_437 = arith.index_cast %parallel_loop3A_436 : i32 to index
        %parallel_loop3A_438 = arith.index_cast %parallel_loop3A_435 : i32 to index
        %parallel_loop3A_439 = arith.index_cast %parallel_loop3A_418 : i32 to index
        %parallel_loop3A_440 = tpu.vector_load %arg7[%parallel_loop3A_437, %parallel_loop3A_438, %parallel_loop3A_439] {strides = array<i32>} : memref<2x32x1024xf32, #tpu.memory_space<vmem>>, vector<1x1x16xf32>,
        %parallel_loop3A_441 = vector.shape_cast %parallel_loop3A_440 : vector<1x1x16xf32> to vector<16xf32>
        %parallel_loop3A_442 = vector.shape_cast %parallel_loop3A_424 : vector<16xf32> to vector<1x1x16xf32>
        tpu.vector_store %arg7[%parallel_loop3A_437, %parallel_loop3A_438, %parallel_loop3A_439], %parallel_loop3A_442 {add = true, strides = array<i32>} : memref<2x32x1024xf32, #tpu.memory_space<vmem>>, vector<1x1x16xf32>,
        %parallel_loop3A_443 = arith.constant 16 : i32
        %parallel_loop3A_444 = arith.addi %parallel_loop3A_443, %parallel_loop3A_413 : i32
        %parallel_loop3A_445 = arith.constant 0 : i32
        %parallel_loop3A_446 = arith.index_cast %parallel_loop3A_445 : i32 to index
        %parallel_loop3A_447 = arith.index_cast %parallel_loop3A_444 : i32 to index
        %parallel_loop3A_448 = arith.index_cast %parallel_loop3A_418 : i32 to index
        %parallel_loop3A_449 = tpu.vector_load %arg7[%parallel_loop3A_446, %parallel_loop3A_447, %parallel_loop3A_448] {strides = array<i32>} : memref<2x32x1024xf32, #tpu.memory_space<vmem>>, vector<1x1x16xf32>,
        %parallel_loop3A_450 = vector.shape_cast %parallel_loop3A_449 : vector<1x1x16xf32> to vector<16xf32>
        %parallel_loop3A_451 = vector.shape_cast %parallel_loop3A_424 : vector<16xf32> to vector<1x1x16xf32>
        tpu.vector_store %arg7[%parallel_loop3A_446, %parallel_loop3A_447, %parallel_loop3A_448], %parallel_loop3A_451 {add = true, strides = array<i32>} : memref<2x32x1024xf32, #tpu.memory_space<vmem>>, vector<1x1x16xf32>,
        %parallel_loop3A_452 = arith.constant 24 : i32
        %parallel_loop3A_453 = arith.addi %parallel_loop3A_452, %parallel_loop3A_413 : i32
        %parallel_loop3A_454 = arith.constant 0 : i32
        %parallel_loop3A_455 = arith.index_cast %parallel_loop3A_454 : i32 to index
        %parallel_loop3A_456 = arith.index_cast %parallel_loop3A_453 : i32 to index
        %parallel_loop3A_457 = arith.index_cast %parallel_loop3A_418 : i32 to index
        %parallel_loop3A_458 = tpu.vector_load %arg7[%parallel_loop3A_455, %parallel_loop3A_456, %parallel_loop3A_457] {strides = array<i32>} : memref<2x32x1024xf32, #tpu.memory_space<vmem>>, vector<1x1x16xf32>,
        %parallel_loop3A_459 = vector.shape_cast %parallel_loop3A_458 : vector<1x1x16xf32> to vector<16xf32>
        %parallel_loop3A_460 = vector.shape_cast %parallel_loop3A_424 : vector<16xf32> to vector<1x1x16xf32>
        tpu.vector_store %arg7[%parallel_loop3A_455, %parallel_loop3A_456, %parallel_loop3A_457], %parallel_loop3A_460 {add = true, strides = array<i32>} : memref<2x32x1024xf32, #tpu.memory_space<vmem>>, vector<1x1x16xf32>,
      } {sc.loop_unroll_factor = 8 : i64, sc.parallel_access}
      %mul3A_217 = arith.constant 8 : i32
      %mul3A_218 = arith.muli %add3A_183, %mul3A_217 : i32
      %add3A_219 = arith.addi %mul3A_2, %mul3A_218 : i32
      %mul3A_220 = arith.constant 8 : i32
      %mul3A_221 = arith.muli %add3A_183, %mul3A_220 : i32
      %add3A_222 = arith.addi %mul3A_2, %mul3A_221 : i32
      %mul3A_223 = arith.constant 8 : i32
      %mul3A_224 = arith.muli %add3A_183, %mul3A_223 : i32
      %add3A_225 = arith.addi %mul3A_2, %mul3A_224 : i32
      %mul3A_226 = arith.constant 8 : i32
      %mul3A_227 = arith.muli %add3A_183, %mul3A_226 : i32
      %add3A_228 = arith.addi %mul3A_2, %mul3A_227 : i32
      %dma_start3A_229 = arith.constant 0 : i32
      %dma_start3A_230 = arith.constant 0 : i32
      %dma_start3A_231 = arith.constant 0 : i32
      %dma_start3A_232 = arith.constant 0 : i32
      %dma_start3A_233 = tpu.memref_slice %arg7[%dma_start3A_229, %dma_start3A_231, %dma_start3A_232] : memref<2x32x1024xf32, #tpu.memory_space<vmem>> -> memref<1x8x1024xf32, #tpu.memory_space<vmem>>
      %dma_start3A_234 = tpu.memref_squeeze %dma_start3A_233 : memref<1x8x1024xf32, #tpu.memory_space<vmem>> -> memref<8x1024xf32, #tpu.memory_space<vmem>>
      %dma_start3A_235 = arith.constant 0 : i32
      %dma_start3A_236 = tpu.memref_slice %arg5[%dma_start3A_230, %add3A_219, %dma_start3A_235] : memref<4x2048x1024xf32, #tpu.memory_space<hbm>> -> memref<1x8x1024xf32, #tpu.memory_space<hbm>>
      %dma_start3A_237 = tpu.memref_squeeze %dma_start3A_236 : memref<1x8x1024xf32, #tpu.memory_space<hbm>> -> memref<8x1024xf32, #tpu.memory_space<hbm>>
      %dma_start3A_238 = arith.constant 0 : i32
      %dma_start3A_239 = tpu.memref_slice %arg5[%dma_start3A_230, %add3A_219, %dma_start3A_238] : memref<4x2048x1024xf32, #tpu.memory_space<hbm>> -> memref<1x8x1024xf32, #tpu.memory_space<hbm>>
      %dma_start3A_240 = tpu.memref_squeeze %dma_start3A_239 : memref<1x8x1024xf32, #tpu.memory_space<hbm>> -> memref<8x1024xf32, #tpu.memory_space<hbm>>
      %dma_start3A_241 = arith.constant 0 : i32
      %dma_start3A_242 = arith.constant 0 : i32
      %dma_start3A_243 = tpu.memref_slice %arg7[%dma_start3A_229, %dma_start3A_241, %dma_start3A_242] : memref<2x32x1024xf32, #tpu.memory_space<vmem>> -> memref<1x8x1024xf32, #tpu.memory_space<vmem>>
      %dma_start3A_244 = tpu.memref_squeeze %dma_start3A_243 : memref<1x8x1024xf32, #tpu.memory_space<vmem>> -> memref<8x1024xf32, #tpu.memory_space<vmem>>
      tpu.enqueue_dma source(%dma_start3A_244 : memref<8x1024xf32, #tpu.memory_space<vmem>>) target(%dma_start3A_240 : memref<8x1024xf32, #tpu.memory_space<hbm>>) target_semaphore(%arg11 : memref<!tpu.dma_semaphore, #tpu.memory_space<semaphore_mem>>)
      %dma_start3A_245 = arith.constant 0 : i32
      %dma_start3A_246 = arith.constant 1 : i32
      %dma_start3A_247 = arith.constant 8 : i32
      %dma_start3A_248 = arith.constant 0 : i32
      %dma_start3A_249 = tpu.memref_slice %arg7[%dma_start3A_245, %dma_start3A_247, %dma_start3A_248] : memref<2x32x1024xf32, #tpu.memory_space<vmem>> -> memref<1x8x1024xf32, #tpu.memory_space<vmem>>
      %dma_start3A_250 = tpu.memref_squeeze %dma_start3A_249 : memref<1x8x1024xf32, #tpu.memory_space<vmem>> -> memref<8x1024xf32, #tpu.memory_space<vmem>>
      %dma_start3A_251 = arith.constant 0 : i32
      %dma_start3A_252 = tpu.memref_slice %arg5[%dma_start3A_246, %add3A_222, %dma_start3A_251] : memref<4x2048x1024xf32, #tpu.memory_space<hbm>> -> memref<1x8x1024xf32, #tpu.memory_space<hbm>>
      %dma_start3A_253 = tpu.memref_squeeze %dma_start3A_252 : memref<1x8x1024xf32, #tpu.memory_space<hbm>> -> memref<8x1024xf32, #tpu.memory_space<hbm>>
      %dma_start3A_254 = arith.constant 0 : i32
      %dma_start3A_255 = tpu.memref_slice %arg5[%dma_start3A_246, %add3A_222, %dma_start3A_254] : memref<4x2048x1024xf32, #tpu.memory_space<hbm>> -> memref<1x8x1024xf32, #tpu.memory_space<hbm>>
      %dma_start3A_256 = tpu.memref_squeeze %dma_start3A_255 : memref<1x8x1024xf32, #tpu.memory_space<hbm>> -> memref<8x1024xf32, #tpu.memory_space<hbm>>
      %dma_start3A_257 = arith.constant 8 : i32
      %dma_start3A_258 = arith.constant 0 : i32
      %dma_start3A_259 = tpu.memref_slice %arg7[%dma_start3A_245, %dma_start3A_257, %dma_start3A_258] : memref<2x32x1024xf32, #tpu.memory_space<vmem>> -> memref<1x8x1024xf32, #tpu.memory_space<vmem>>
      %dma_start3A_260 = tpu.memref_squeeze %dma_start3A_259 : memref<1x8x1024xf32, #tpu.memory_space<vmem>> -> memref<8x1024xf32, #tpu.memory_space<vmem>>
      tpu.enqueue_dma source(%dma_start3A_260 : memref<8x1024xf32, #tpu.memory_space<vmem>>) target(%dma_start3A_256 : memref<8x1024xf32, #tpu.memory_space<hbm>>) target_semaphore(%arg11 : memref<!tpu.dma_semaphore, #tpu.memory_space<semaphore_mem>>)
      %dma_start3A_261 = arith.constant 0 : i32
      %dma_start3A_262 = arith.constant 2 : i32
      %dma_start3A_263 = arith.constant 16 : i32
      %dma_start3A_264 = arith.constant 0 : i32
      %dma_start3A_265 = tpu.memref_slice %arg7[%dma_start3A_261, %dma_start3A_263, %dma_start3A_264] : memref<2x32x1024xf32, #tpu.memory_space<vmem>> -> memref<1x8x1024xf32, #tpu.memory_space<vmem>>
      %dma_start3A_266 = tpu.memref_squeeze %dma_start3A_265 : memref<1x8x1024xf32, #tpu.memory_space<vmem>> -> memref<8x1024xf32, #tpu.memory_space<vmem>>
      %dma_start3A_267 = arith.constant 0 : i32
      %dma_start3A_268 = tpu.memref_slice %arg5[%dma_start3A_262, %add3A_225, %dma_start3A_267] : memref<4x2048x1024xf32, #tpu.memory_space<hbm>> -> memref<1x8x1024xf32, #tpu.memory_space<hbm>>
      %dma_start3A_269 = tpu.memref_squeeze %dma_start3A_268 : memref<1x8x1024xf32, #tpu.memory_space<hbm>> -> memref<8x1024xf32, #tpu.memory_space<hbm>>
      %dma_start3A_270 = arith.constant 0 : i32
      %dma_start3A_271 = tpu.memref_slice %arg5[%dma_start3A_262, %add3A_225, %dma_start3A_270] : memref<4x2048x1024xf32, #tpu.memory_space<hbm>> -> memref<1x8x1024xf32, #tpu.memory_space<hbm>>
      %dma_start3A_272 = tpu.memref_squeeze %dma_start3A_271 : memref<1x8x1024xf32, #tpu.memory_space<hbm>> -> memref<8x1024xf32, #tpu.memory_space<hbm>>
      %dma_start3A_273 = arith.constant 16 : i32
      %dma_start3A_274 = arith.constant 0 : i32
      %dma_start3A_275 = tpu.memref_slice %arg7[%dma_start3A_261, %dma_start3A_273, %dma_start3A_274] : memref<2x32x1024xf32, #tpu.memory_space<vmem>> -> memref<1x8x1024xf32, #tpu.memory_space<vmem>>
      %dma_start3A_276 = tpu.memref_squeeze %dma_start3A_275 : memref<1x8x1024xf32, #tpu.memory_space<vmem>> -> memref<8x1024xf32, #tpu.memory_space<vmem>>
      tpu.enqueue_dma source(%dma_start3A_276 : memref<8x1024xf32, #tpu.memory_space<vmem>>) target(%dma_start3A_272 : memref<8x1024xf32, #tpu.memory_space<hbm>>) target_semaphore(%arg11 : memref<!tpu.dma_semaphore, #tpu.memory_space<semaphore_mem>>)
      %dma_start3A_277 = arith.constant 0 : i32
      %dma_start3A_278 = arith.constant 3 : i32
      %dma_start3A_279 = arith.constant 24 : i32
      %dma_start3A_280 = arith.constant 0 : i32
      %dma_start3A_281 = tpu.memref_slice %arg7[%dma_start3A_277, %dma_start3A_279, %dma_start3A_280] : memref<2x32x1024xf32, #tpu.memory_space<vmem>> -> memref<1x8x1024xf32, #tpu.memory_space<vmem>>
      %dma_start3A_282 = tpu.memref_squeeze %dma_start3A_281 : memref<1x8x1024xf32, #tpu.memory_space<vmem>> -> memref<8x1024xf32, #tpu.memory_space<vmem>>
      %dma_start3A_283 = arith.constant 0 : i32
      %dma_start3A_284 = tpu.memref_slice %arg5[%dma_start3A_278, %add3A_228, %dma_start3A_283] : memref<4x2048x1024xf32, #tpu.memory_space<hbm>> -> memref<1x8x1024xf32, #tpu.memory_space<hbm>>
      %dma_start3A_285 = tpu.memref_squeeze %dma_start3A_284 : memref<1x8x1024xf32, #tpu.memory_space<hbm>> -> memref<8x1024xf32, #tpu.memory_space<hbm>>
      %dma_start3A_286 = arith.constant 0 : i32
      %dma_start3A_287 = tpu.memref_slice %arg5[%dma_start3A_278, %add3A_228, %dma_start3A_286] : memref<4x2048x1024xf32, #tpu.memory_space<hbm>> -> memref<1x8x1024xf32, #tpu.memory_space<hbm>>
      %dma_start3A_288 = tpu.memref_squeeze %dma_start3A_287 : memref<1x8x1024xf32, #tpu.memory_space<hbm>> -> memref<8x1024xf32, #tpu.memory_space<hbm>>
      %dma_start3A_289 = arith.constant 24 : i32
      %dma_start3A_290 = arith.constant 0 : i32
      %dma_start3A_291 = tpu.memref_slice %arg7[%dma_start3A_277, %dma_start3A_289, %dma_start3A_290] : memref<2x32x1024xf32, #tpu.memory_space<vmem>> -> memref<1x8x1024xf32, #tpu.memory_space<vmem>>
      %dma_start3A_292 = tpu.memref_squeeze %dma_start3A_291 : memref<1x8x1024xf32, #tpu.memory_space<vmem>> -> memref<8x1024xf32, #tpu.memory_space<vmem>>
      tpu.enqueue_dma source(%dma_start3A_292 : memref<8x1024xf32, #tpu.memory_space<vmem>>) target(%dma_start3A_288 : memref<8x1024xf32, #tpu.memory_space<hbm>>) target_semaphore(%arg11 : memref<!tpu.dma_semaphore, #tpu.memory_space<semaphore_mem>>)
      %mul3A_293 = arith.constant 2 : i32
      %mul3A_294 = arith.muli %mul3A_293, %scan3A_178 : i32
      %add3A_295 = arith.constant 1 : i32
      %add3A_296 = arith.addi %mul3A_294, %add3A_295 : i32
      %add3A_297 = arith.constant 1 : i32
      %add3A_298 = arith.addi %add3A_296, %add3A_297 : i32
      %lt3A_299 = arith.constant 8 : i32
      %lt3A_300 = arith.cmpi slt, %add3A_298, %lt3A_299 : i32
      %convert_element_type3A_301 = arith.extui %lt3A_300 : i1 to i32
      %cond3A_302 = arith.constant 0 : i32
      %cond3A_303 = arith.cmpi ne, %convert_element_type3A_301, %cond3A_302 : i32
      scf.if %cond3A_303 {
        %ge3A = arith.constant 1 : i32
        %ge3A_411 = arith.cmpi sge, %add3A_296, %ge3A : i32
        %convert_element_type3A_412 = arith.extui %ge3A_411 : i1 to i32
        %cond3A_413 = arith.constant 0 : i32
        %cond3A_414 = arith.cmpi ne, %convert_element_type3A_412, %cond3A_413 : i32
        scf.if %cond3A_414 {
          %sub3A = arith.constant 1 : i32
          %sub3A_444 = arith.subi %add3A_296, %sub3A : i32
          %mul3A_445 = arith.constant 8 : i32
          %mul3A_446 = arith.muli %sub3A_444, %mul3A_445 : i32
          %add3A_447 = arith.addi %mul3A_2, %mul3A_446 : i32
          %mul3A_448 = arith.constant 8 : i32
          %mul3A_449 = arith.muli %sub3A_444, %mul3A_448 : i32
          %add3A_450 = arith.addi %mul3A_2, %mul3A_449 : i32
          %mul3A_451 = arith.constant 8 : i32
          %mul3A_452 = arith.muli %sub3A_444, %mul3A_451 : i32
          %add3A_453 = arith.addi %mul3A_2, %mul3A_452 : i32
          %mul3A_454 = arith.constant 8 : i32
          %mul3A_455 = arith.muli %sub3A_444, %mul3A_454 : i32
          %add3A_456 = arith.addi %mul3A_2, %mul3A_455 : i32
          %dma_wait3A_457 = arith.constant 0 : i32
          %dma_wait3A_458 = arith.constant 0 : i32
          %dma_wait3A_459 = arith.constant 0 : i32
          %dma_wait3A_460 = arith.constant 0 : i32
          %dma_wait3A_461 = tpu.memref_slice %arg7[%dma_wait3A_457, %dma_wait3A_459, %dma_wait3A_460] : memref<2x32x1024xf32, #tpu.memory_space<vmem>> -> memref<1x8x1024xf32, #tpu.memory_space<vmem>>
          %dma_wait3A_462 = tpu.memref_squeeze %dma_wait3A_461 : memref<1x8x1024xf32, #tpu.memory_space<vmem>> -> memref<8x1024xf32, #tpu.memory_space<vmem>>
          %dma_wait3A_463 = arith.constant 0 : i32
          %dma_wait3A_464 = tpu.memref_slice %arg5[%dma_wait3A_458, %add3A_447, %dma_wait3A_463] : memref<4x2048x1024xf32, #tpu.memory_space<hbm>> -> memref<1x8x1024xf32, #tpu.memory_space<hbm>>
          %dma_wait3A_465 = tpu.memref_squeeze %dma_wait3A_464 : memref<1x8x1024xf32, #tpu.memory_space<hbm>> -> memref<8x1024xf32, #tpu.memory_space<hbm>>
          %dma_wait3A_466 = arith.constant 0 : i32
          %dma_wait3A_467 = tpu.memref_slice %arg5[%dma_wait3A_458, %add3A_447, %dma_wait3A_466] : memref<4x2048x1024xf32, #tpu.memory_space<hbm>> -> memref<1x8x1024xf32, #tpu.memory_space<hbm>>
          %dma_wait3A_468 = tpu.memref_squeeze %dma_wait3A_467 : memref<1x8x1024xf32, #tpu.memory_space<hbm>> -> memref<8x1024xf32, #tpu.memory_space<hbm>>
          %dma_wait3A_469 = arith.constant 0 : i32
          %dma_wait3A_470 = arith.constant 0 : i32
          %dma_wait3A_471 = tpu.memref_slice %arg7[%dma_wait3A_457, %dma_wait3A_469, %dma_wait3A_470] : memref<2x32x1024xf32, #tpu.memory_space<vmem>> -> memref<1x8x1024xf32, #tpu.memory_space<vmem>>
          %dma_wait3A_472 = tpu.memref_squeeze %dma_wait3A_471 : memref<1x8x1024xf32, #tpu.memory_space<vmem>> -> memref<8x1024xf32, #tpu.memory_space<vmem>>
          tpu.wait_dma2 semaphore(%arg11 : memref<!tpu.dma_semaphore, #tpu.memory_space<semaphore_mem>>) src(%dma_wait3A_472 : memref<8x1024xf32, #tpu.memory_space<vmem>>) dst(%dma_wait3A_468 : memref<8x1024xf32, #tpu.memory_space<hbm>>)
          %dma_wait3A_473 = arith.constant 0 : i32
          %dma_wait3A_474 = arith.constant 1 : i32
          %dma_wait3A_475 = arith.constant 8 : i32
          %dma_wait3A_476 = arith.constant 0 : i32
          %dma_wait3A_477 = tpu.memref_slice %arg7[%dma_wait3A_473, %dma_wait3A_475, %dma_wait3A_476] : memref<2x32x1024xf32, #tpu.memory_space<vmem>> -> memref<1x8x1024xf32, #tpu.memory_space<vmem>>
          %dma_wait3A_478 = tpu.memref_squeeze %dma_wait3A_477 : memref<1x8x1024xf32, #tpu.memory_space<vmem>> -> memref<8x1024xf32, #tpu.memory_space<vmem>>
          %dma_wait3A_479 = arith.constant 0 : i32
          %dma_wait3A_480 = tpu.memref_slice %arg5[%dma_wait3A_474, %add3A_450, %dma_wait3A_479] : memref<4x2048x1024xf32, #tpu.memory_space<hbm>> -> memref<1x8x1024xf32, #tpu.memory_space<hbm>>
          %dma_wait3A_481 = tpu.memref_squeeze %dma_wait3A_480 : memref<1x8x1024xf32, #tpu.memory_space<hbm>> -> memref<8x1024xf32, #tpu.memory_space<hbm>>
          %dma_wait3A_482 = arith.constant 0 : i32
          %dma_wait3A_483 = tpu.memref_slice %arg5[%dma_wait3A_474, %add3A_450, %dma_wait3A_482] : memref<4x2048x1024xf32, #tpu.memory_space<hbm>> -> memref<1x8x1024xf32, #tpu.memory_space<hbm>>
          %dma_wait3A_484 = tpu.memref_squeeze %dma_wait3A_483 : memref<1x8x1024xf32, #tpu.memory_space<hbm>> -> memref<8x1024xf32, #tpu.memory_space<hbm>>
          %dma_wait3A_485 = arith.constant 8 : i32
          %dma_wait3A_486 = arith.constant 0 : i32
          %dma_wait3A_487 = tpu.memref_slice %arg7[%dma_wait3A_473, %dma_wait3A_485, %dma_wait3A_486] : memref<2x32x1024xf32, #tpu.memory_space<vmem>> -> memref<1x8x1024xf32, #tpu.memory_space<vmem>>
          %dma_wait3A_488 = tpu.memref_squeeze %dma_wait3A_487 : memref<1x8x1024xf32, #tpu.memory_space<vmem>> -> memref<8x1024xf32, #tpu.memory_space<vmem>>
          tpu.wait_dma2 semaphore(%arg11 : memref<!tpu.dma_semaphore, #tpu.memory_space<semaphore_mem>>) src(%dma_wait3A_488 : memref<8x1024xf32, #tpu.memory_space<vmem>>) dst(%dma_wait3A_484 : memref<8x1024xf32, #tpu.memory_space<hbm>>)
          %dma_wait3A_489 = arith.constant 0 : i32
          %dma_wait3A_490 = arith.constant 2 : i32
          %dma_wait3A_491 = arith.constant 16 : i32
          %dma_wait3A_492 = arith.constant 0 : i32
          %dma_wait3A_493 = tpu.memref_slice %arg7[%dma_wait3A_489, %dma_wait3A_491, %dma_wait3A_492] : memref<2x32x1024xf32, #tpu.memory_space<vmem>> -> memref<1x8x1024xf32, #tpu.memory_space<vmem>>
          %dma_wait3A_494 = tpu.memref_squeeze %dma_wait3A_493 : memref<1x8x1024xf32, #tpu.memory_space<vmem>> -> memref<8x1024xf32, #tpu.memory_space<vmem>>
          %dma_wait3A_495 = arith.constant 0 : i32
          %dma_wait3A_496 = tpu.memref_slice %arg5[%dma_wait3A_490, %add3A_453, %dma_wait3A_495] : memref<4x2048x1024xf32, #tpu.memory_space<hbm>> -> memref<1x8x1024xf32, #tpu.memory_space<hbm>>
          %dma_wait3A_497 = tpu.memref_squeeze %dma_wait3A_496 : memref<1x8x1024xf32, #tpu.memory_space<hbm>> -> memref<8x1024xf32, #tpu.memory_space<hbm>>
          %dma_wait3A_498 = arith.constant 0 : i32
          %dma_wait3A_499 = tpu.memref_slice %arg5[%dma_wait3A_490, %add3A_453, %dma_wait3A_498] : memref<4x2048x1024xf32, #tpu.memory_space<hbm>> -> memref<1x8x1024xf32, #tpu.memory_space<hbm>>
          %dma_wait3A_500 = tpu.memref_squeeze %dma_wait3A_499 : memref<1x8x1024xf32, #tpu.memory_space<hbm>> -> memref<8x1024xf32, #tpu.memory_space<hbm>>
          %dma_wait3A_501 = arith.constant 16 : i32
          %dma_wait3A_502 = arith.constant 0 : i32
          %dma_wait3A_503 = tpu.memref_slice %arg7[%dma_wait3A_489, %dma_wait3A_501, %dma_wait3A_502] : memref<2x32x1024xf32, #tpu.memory_space<vmem>> -> memref<1x8x1024xf32, #tpu.memory_space<vmem>>
          %dma_wait3A_504 = tpu.memref_squeeze %dma_wait3A_503 : memref<1x8x1024xf32, #tpu.memory_space<vmem>> -> memref<8x1024xf32, #tpu.memory_space<vmem>>
          tpu.wait_dma2 semaphore(%arg11 : memref<!tpu.dma_semaphore, #tpu.memory_space<semaphore_mem>>) src(%dma_wait3A_504 : memref<8x1024xf32, #tpu.memory_space<vmem>>) dst(%dma_wait3A_500 : memref<8x1024xf32, #tpu.memory_space<hbm>>)
          %dma_wait3A_505 = arith.constant 0 : i32
          %dma_wait3A_506 = arith.constant 3 : i32
          %dma_wait3A_507 = arith.constant 24 : i32
          %dma_wait3A_508 = arith.constant 0 : i32
          %dma_wait3A_509 = tpu.memref_slice %arg7[%dma_wait3A_505, %dma_wait3A_507, %dma_wait3A_508] : memref<2x32x1024xf32, #tpu.memory_space<vmem>> -> memref<1x8x1024xf32, #tpu.memory_space<vmem>>
          %dma_wait3A_510 = tpu.memref_squeeze %dma_wait3A_509 : memref<1x8x1024xf32, #tpu.memory_space<vmem>> -> memref<8x1024xf32, #tpu.memory_space<vmem>>
          %dma_wait3A_511 = arith.constant 0 : i32
          %dma_wait3A_512 = tpu.memref_slice %arg5[%dma_wait3A_506, %add3A_456, %dma_wait3A_511] : memref<4x2048x1024xf32, #tpu.memory_space<hbm>> -> memref<1x8x1024xf32, #tpu.memory_space<hbm>>
          %dma_wait3A_513 = tpu.memref_squeeze %dma_wait3A_512 : memref<1x8x1024xf32, #tpu.memory_space<hbm>> -> memref<8x1024xf32, #tpu.memory_space<hbm>>
          %dma_wait3A_514 = arith.constant 0 : i32
          %dma_wait3A_515 = tpu.memref_slice %arg5[%dma_wait3A_506, %add3A_456, %dma_wait3A_514] : memref<4x2048x1024xf32, #tpu.memory_space<hbm>> -> memref<1x8x1024xf32, #tpu.memory_space<hbm>>
          %dma_wait3A_516 = tpu.memref_squeeze %dma_wait3A_515 : memref<1x8x1024xf32, #tpu.memory_space<hbm>> -> memref<8x1024xf32, #tpu.memory_space<hbm>>
          %dma_wait3A_517 = arith.constant 24 : i32
          %dma_wait3A_518 = arith.constant 0 : i32
          %dma_wait3A_519 = tpu.memref_slice %arg7[%dma_wait3A_505, %dma_wait3A_517, %dma_wait3A_518] : memref<2x32x1024xf32, #tpu.memory_space<vmem>> -> memref<1x8x1024xf32, #tpu.memory_space<vmem>>
          %dma_wait3A_520 = tpu.memref_squeeze %dma_wait3A_519 : memref<1x8x1024xf32, #tpu.memory_space<vmem>> -> memref<8x1024xf32, #tpu.memory_space<vmem>>
          tpu.wait_dma2 semaphore(%arg11 : memref<!tpu.dma_semaphore, #tpu.memory_space<semaphore_mem>>) src(%dma_wait3A_520 : memref<8x1024xf32, #tpu.memory_space<vmem>>) dst(%dma_wait3A_516 : memref<8x1024xf32, #tpu.memory_space<hbm>>)
        } else {
        }
        %add3A_415 = arith.constant 1 : i32
        %add3A_416 = arith.addi %add3A_296, %add3A_415 : i32
        %mul3A_417 = arith.constant 8 : i32
        %mul3A_418 = arith.muli %add3A_416, %mul3A_417 : i32
        %add3A_419 = arith.addi %mul3A_2, %mul3A_418 : i32
        %dma_start3A_420 = arith.constant 0 : i32
        %dma_start3A_421 = arith.constant 0 : i32
        %dma_start3A_422 = arith.constant 0 : i32
        %dma_start3A_423 = tpu.memref_slice %arg8[%dma_start3A_420, %dma_start3A_421, %dma_start3A_422] : memref<2x8x1024xf32, #tpu.memory_space<vmem>> -> memref<1x8x1024xf32, #tpu.memory_space<vmem>>
        %dma_start3A_424 = tpu.memref_squeeze %dma_start3A_423 : memref<1x8x1024xf32, #tpu.memory_space<vmem>> -> memref<8x1024xf32, #tpu.memory_space<vmem>>
        %dma_start3A_425 = arith.constant 0 : i32
        %dma_start3A_426 = tpu.memref_slice %arg4[%add3A_419, %dma_start3A_425] : memref<2048x1024xf32, #tpu.memory_space<hbm>> -> memref<8x1024xf32, #tpu.memory_space<hbm>>
        %dma_start3A_427 = arith.constant 0 : i32
        %dma_start3A_428 = arith.constant 0 : i32
        %dma_start3A_429 = tpu.memref_slice %arg8[%dma_start3A_420, %dma_start3A_427, %dma_start3A_428] : memref<2x8x1024xf32, #tpu.memory_space<vmem>> -> memref<1x8x1024xf32, #tpu.memory_space<vmem>>
        %dma_start3A_430 = tpu.memref_squeeze %dma_start3A_429 : memref<1x8x1024xf32, #tpu.memory_space<vmem>> -> memref<8x1024xf32, #tpu.memory_space<vmem>>
        %dma_start3A_431 = arith.constant 0 : i32
        %dma_start3A_432 = tpu.memref_slice %arg4[%add3A_419, %dma_start3A_431] : memref<2048x1024xf32, #tpu.memory_space<hbm>> -> memref<8x1024xf32, #tpu.memory_space<hbm>>
        tpu.enqueue_dma source(%dma_start3A_432 : memref<8x1024xf32, #tpu.memory_space<hbm>>) target(%dma_start3A_430 : memref<8x1024xf32, #tpu.memory_space<vmem>>) target_semaphore(%arg9 : memref<!tpu.dma_semaphore, #tpu.memory_space<semaphore_mem>>)
        %dma_start3A_433 = arith.constant 0 : i32
        %dma_start3A_434 = arith.constant 0 : i32
        %dma_start3A_435 = arith.constant 0 : i32
        %dma_start3A_436 = tpu.memref_slice %arg7[%dma_start3A_433, %dma_start3A_434, %dma_start3A_435] : memref<2x32x1024xf32, #tpu.memory_space<vmem>> -> memref<1x32x1024xf32, #tpu.memory_space<vmem>>
        %dma_start3A_437 = tpu.memref_squeeze %dma_start3A_436 : memref<1x32x1024xf32, #tpu.memory_space<vmem>> -> memref<32x1024xf32, #tpu.memory_space<vmem>>
        %dma_start3A_438 = arith.constant 0 : i32
        %dma_start3A_439 = tpu.memref_slice %arg6[%add3A_416, %dma_start3A_438] : memref<8x32xi32, #tpu.memory_space<vmem>> -> memref<1x32xi32, #tpu.memory_space<vmem>>
        %dma_start3A_440 = tpu.memref_squeeze %dma_start3A_439 : memref<1x32xi32, #tpu.memory_space<vmem>> -> memref<32xi32, #tpu.memory_space<vmem>>
        %dma_start3A_441 = arith.constant 0 : i32
        %dma_start3A_442 = arith.constant 0 : i32
        %dma_start3A_443 = tpu.memref_slice %arg3[%dma_start3A_441, %dma_start3A_442] : memref<50257x1024xf32, #tpu.memory_space<hbm>> -> memref<50257x1024xf32, #tpu.memory_space<hbm>>
        tpu.enqueue_indirect_dma source(%dma_start3A_443 : memref<50257x1024xf32, #tpu.memory_space<hbm>>) target(%dma_start3A_437 : memref<32x1024xf32, #tpu.memory_space<vmem>>) offsets(%dma_start3A_440 : memref<32xi32, #tpu.memory_space<vmem>>) semaphore(%arg9 : memref<!tpu.dma_semaphore, #tpu.memory_space<semaphore_mem>>)
      } else {
      }
      %mul3A_304 = arith.constant 8 : i32
      %mul3A_305 = arith.muli %add3A_296, %mul3A_304 : i32
      %add3A_306 = arith.addi %mul3A_2, %mul3A_305 : i32
      %dma_wait3A_307 = arith.constant 1 : i32
      %dma_wait3A_308 = arith.constant 0 : i32
      %dma_wait3A_309 = arith.constant 0 : i32
      %dma_wait3A_310 = tpu.memref_slice %arg8[%dma_wait3A_307, %dma_wait3A_308, %dma_wait3A_309] : memref<2x8x1024xf32, #tpu.memory_space<vmem>> -> memref<1x8x1024xf32, #tpu.memory_space<vmem>>
      %dma_wait3A_311 = tpu.memref_squeeze %dma_wait3A_310 : memref<1x8x1024xf32, #tpu.memory_space<vmem>> -> memref<8x1024xf32, #tpu.memory_space<vmem>>
      %dma_wait3A_312 = arith.constant 0 : i32
      %dma_wait3A_313 = tpu.memref_slice %arg4[%add3A_306, %dma_wait3A_312] : memref<2048x1024xf32, #tpu.memory_space<hbm>> -> memref<8x1024xf32, #tpu.memory_space<hbm>>
      %dma_wait3A_314 = arith.constant 0 : i32
      %dma_wait3A_315 = arith.constant 0 : i32
      %dma_wait3A_316 = tpu.memref_slice %arg8[%dma_wait3A_307, %dma_wait3A_314, %dma_wait3A_315] : memref<2x8x1024xf32, #tpu.memory_space<vmem>> -> memref<1x8x1024xf32, #tpu.memory_space<vmem>>
      %dma_wait3A_317 = tpu.memref_squeeze %dma_wait3A_316 : memref<1x8x1024xf32, #tpu.memory_space<vmem>> -> memref<8x1024xf32, #tpu.memory_space<vmem>>
      %dma_wait3A_318 = arith.constant 0 : i32
      %dma_wait3A_319 = tpu.memref_slice %arg4[%add3A_306, %dma_wait3A_318] : memref<2048x1024xf32, #tpu.memory_space<hbm>> -> memref<8x1024xf32, #tpu.memory_space<hbm>>
      tpu.wait_dma2 semaphore(%arg10 : memref<!tpu.dma_semaphore, #tpu.memory_space<semaphore_mem>>) src(%dma_wait3A_319 : memref<8x1024xf32, #tpu.memory_space<hbm>>) dst(%dma_wait3A_317 : memref<8x1024xf32, #tpu.memory_space<vmem>>)
      %dma_wait3A_320 = arith.constant 1 : i32
      %dma_wait3A_321 = arith.constant 0 : i32
      %dma_wait3A_322 = arith.constant 0 : i32
      %dma_wait3A_323 = tpu.memref_slice %arg7[%dma_wait3A_320, %dma_wait3A_321, %dma_wait3A_322] : memref<2x32x1024xf32, #tpu.memory_space<vmem>> -> memref<1x32x1024xf32, #tpu.memory_space<vmem>>
      %dma_wait3A_324 = tpu.memref_squeeze %dma_wait3A_323 : memref<1x32x1024xf32, #tpu.memory_space<vmem>> -> memref<32x1024xf32, #tpu.memory_space<vmem>>
      %dma_wait3A_325 = arith.constant 0 : i32
      %dma_wait3A_326 = tpu.memref_slice %arg6[%add3A_296, %dma_wait3A_325] : memref<8x32xi32, #tpu.memory_space<vmem>> -> memref<1x32xi32, #tpu.memory_space<vmem>>
      %dma_wait3A_327 = tpu.memref_squeeze %dma_wait3A_326 : memref<1x32xi32, #tpu.memory_space<vmem>> -> memref<32xi32, #tpu.memory_space<vmem>>
      %dma_wait3A_328 = arith.constant 0 : i32
      %dma_wait3A_329 = arith.constant 0 : i32
      %dma_wait3A_330 = tpu.memref_slice %arg3[%dma_wait3A_328, %dma_wait3A_329] : memref<50257x1024xf32, #tpu.memory_space<hbm>> -> memref<50257x1024xf32, #tpu.memory_space<hbm>>
      tpu.wait_indirect_dma semaphore(%arg10 : memref<!tpu.dma_semaphore, #tpu.memory_space<semaphore_mem>>) src(%dma_wait3A_330 : memref<50257x1024xf32, #tpu.memory_space<hbm>>) dst(%dma_wait3A_324 : memref<32x1024xf32, #tpu.memory_space<vmem>>)
      %parallel_loop3A_331 = arith.constant 0 : i32
      %parallel_loop3A_332 = arith.constant 512 : i32
      %parallel_loop3A_333 = arith.constant 1 : i32
      scf.for %parallel_loop3A_411 = %parallel_loop3A_331 to %parallel_loop3A_332 step %parallel_loop3A_333  : i32 {
        %parallel_loop3A_412 = arith.constant 6 : i32
        %parallel_loop3A_413 = arith.shrui %parallel_loop3A_411, %parallel_loop3A_412 : i32
        %parallel_loop3A_414 = arith.constant 63 : i32
        %parallel_loop3A_415 = arith.andi %parallel_loop3A_411, %parallel_loop3A_414 : i32
        %parallel_loop3A_416 = arith.constant 4 : i32
        %parallel_loop3A_417 = arith.shli %parallel_loop3A_415, %parallel_loop3A_416 : i32
        %parallel_loop3A_418 = tpu.assume_multiple %parallel_loop3A_417, 16 : i32
        %parallel_loop3A_419 = arith.constant 1 : i32
        %parallel_loop3A_420 = arith.index_cast %parallel_loop3A_419 : i32 to index
        %parallel_loop3A_421 = arith.index_cast %parallel_loop3A_413 : i32 to index
        %parallel_loop3A_422 = arith.index_cast %parallel_loop3A_418 : i32 to index
        %parallel_loop3A_423 = tpu.vector_load %arg8[%parallel_loop3A_420, %parallel_loop3A_421, %parallel_loop3A_422] {strides = array<i32>} : memref<2x8x1024xf32, #tpu.memory_space<vmem>>, vector<1x1x16xf32>,
        %parallel_loop3A_424 = vector.shape_cast %parallel_loop3A_423 : vector<1x1x16xf32> to vector<16xf32>
        %parallel_loop3A_425 = arith.constant 0 : i32
        %parallel_loop3A_426 = arith.addi %parallel_loop3A_425, %parallel_loop3A_413 : i32
        %parallel_loop3A_427 = arith.constant 1 : i32
        %parallel_loop3A_428 = arith.index_cast %parallel_loop3A_427 : i32 to index
        %parallel_loop3A_429 = arith.index_cast %parallel_loop3A_426 : i32 to index
        %parallel_loop3A_430 = arith.index_cast %parallel_loop3A_418 : i32 to index
        %parallel_loop3A_431 = tpu.vector_load %arg7[%parallel_loop3A_428, %parallel_loop3A_429, %parallel_loop3A_430] {strides = array<i32>} : memref<2x32x1024xf32, #tpu.memory_space<vmem>>, vector<1x1x16xf32>,
        %parallel_loop3A_432 = vector.shape_cast %parallel_loop3A_431 : vector<1x1x16xf32> to vector<16xf32>
        %parallel_loop3A_433 = vector.shape_cast %parallel_loop3A_424 : vector<16xf32> to vector<1x1x16xf32>
        tpu.vector_store %arg7[%parallel_loop3A_428, %parallel_loop3A_429, %parallel_loop3A_430], %parallel_loop3A_433 {add = true, strides = array<i32>} : memref<2x32x1024xf32, #tpu.memory_space<vmem>>, vector<1x1x16xf32>,
        %parallel_loop3A_434 = arith.constant 8 : i32
        %parallel_loop3A_435 = arith.addi %parallel_loop3A_434, %parallel_loop3A_413 : i32
        %parallel_loop3A_436 = arith.constant 1 : i32
        %parallel_loop3A_437 = arith.index_cast %parallel_loop3A_436 : i32 to index
        %parallel_loop3A_438 = arith.index_cast %parallel_loop3A_435 : i32 to index
        %parallel_loop3A_439 = arith.index_cast %parallel_loop3A_418 : i32 to index
        %parallel_loop3A_440 = tpu.vector_load %arg7[%parallel_loop3A_437, %parallel_loop3A_438, %parallel_loop3A_439] {strides = array<i32>} : memref<2x32x1024xf32, #tpu.memory_space<vmem>>, vector<1x1x16xf32>,
        %parallel_loop3A_441 = vector.shape_cast %parallel_loop3A_440 : vector<1x1x16xf32> to vector<16xf32>
        %parallel_loop3A_442 = vector.shape_cast %parallel_loop3A_424 : vector<16xf32> to vector<1x1x16xf32>
        tpu.vector_store %arg7[%parallel_loop3A_437, %parallel_loop3A_438, %parallel_loop3A_439], %parallel_loop3A_442 {add = true, strides = array<i32>} : memref<2x32x1024xf32, #tpu.memory_space<vmem>>, vector<1x1x16xf32>,
        %parallel_loop3A_443 = arith.constant 16 : i32
        %parallel_loop3A_444 = arith.addi %parallel_loop3A_443, %parallel_loop3A_413 : i32
        %parallel_loop3A_445 = arith.constant 1 : i32
        %parallel_loop3A_446 = arith.index_cast %parallel_loop3A_445 : i32 to index
        %parallel_loop3A_447 = arith.index_cast %parallel_loop3A_444 : i32 to index
        %parallel_loop3A_448 = arith.index_cast %parallel_loop3A_418 : i32 to index
        %parallel_loop3A_449 = tpu.vector_load %arg7[%parallel_loop3A_446, %parallel_loop3A_447, %parallel_loop3A_448] {strides = array<i32>} : memref<2x32x1024xf32, #tpu.memory_space<vmem>>, vector<1x1x16xf32>,
        %parallel_loop3A_450 = vector.shape_cast %parallel_loop3A_449 : vector<1x1x16xf32> to vector<16xf32>
        %parallel_loop3A_451 = vector.shape_cast %parallel_loop3A_424 : vector<16xf32> to vector<1x1x16xf32>
        tpu.vector_store %arg7[%parallel_loop3A_446, %parallel_loop3A_447, %parallel_loop3A_448], %parallel_loop3A_451 {add = true, strides = array<i32>} : memref<2x32x1024xf32, #tpu.memory_space<vmem>>, vector<1x1x16xf32>,
        %parallel_loop3A_452 = arith.constant 24 : i32
        %parallel_loop3A_453 = arith.addi %parallel_loop3A_452, %parallel_loop3A_413 : i32
        %parallel_loop3A_454 = arith.constant 1 : i32
        %parallel_loop3A_455 = arith.index_cast %parallel_loop3A_454 : i32 to index
        %parallel_loop3A_456 = arith.index_cast %parallel_loop3A_453 : i32 to index
        %parallel_loop3A_457 = arith.index_cast %parallel_loop3A_418 : i32 to index
        %parallel_loop3A_458 = tpu.vector_load %arg7[%parallel_loop3A_455, %parallel_loop3A_456, %parallel_loop3A_457] {strides = array<i32>} : memref<2x32x1024xf32, #tpu.memory_space<vmem>>, vector<1x1x16xf32>,
        %parallel_loop3A_459 = vector.shape_cast %parallel_loop3A_458 : vector<1x1x16xf32> to vector<16xf32>
        %parallel_loop3A_460 = vector.shape_cast %parallel_loop3A_424 : vector<16xf32> to vector<1x1x16xf32>
        tpu.vector_store %arg7[%parallel_loop3A_455, %parallel_loop3A_456, %parallel_loop3A_457], %parallel_loop3A_460 {add = true, strides = array<i32>} : memref<2x32x1024xf32, #tpu.memory_space<vmem>>, vector<1x1x16xf32>,
      } {sc.loop_unroll_factor = 8 : i64, sc.parallel_access}
      %mul3A_334 = arith.constant 8 : i32
      %mul3A_335 = arith.muli %add3A_296, %mul3A_334 : i32
      %add3A_336 = arith.addi %mul3A_2, %mul3A_335 : i32
      %mul3A_337 = arith.constant 8 : i32
      %mul3A_338 = arith.muli %add3A_296, %mul3A_337 : i32
      %add3A_339 = arith.addi %mul3A_2, %mul3A_338 : i32
      %mul3A_340 = arith.constant 8 : i32
      %mul3A_341 = arith.muli %add3A_296, %mul3A_340 : i32
      %add3A_342 = arith.addi %mul3A_2, %mul3A_341 : i32
      %mul3A_343 = arith.constant 8 : i32
      %mul3A_344 = arith.muli %add3A_296, %mul3A_343 : i32
      %add3A_345 = arith.addi %mul3A_2, %mul3A_344 : i32
      %dma_start3A_346 = arith.constant 1 : i32
      %dma_start3A_347 = arith.constant 0 : i32
      %dma_start3A_348 = arith.constant 0 : i32
      %dma_start3A_349 = arith.constant 0 : i32
      %dma_start3A_350 = tpu.memref_slice %arg7[%dma_start3A_346, %dma_start3A_348, %dma_start3A_349] : memref<2x32x1024xf32, #tpu.memory_space<vmem>> -> memref<1x8x1024xf32, #tpu.memory_space<vmem>>
      %dma_start3A_351 = tpu.memref_squeeze %dma_start3A_350 : memref<1x8x1024xf32, #tpu.memory_space<vmem>> -> memref<8x1024xf32, #tpu.memory_space<vmem>>
      %dma_start3A_352 = arith.constant 0 : i32
      %dma_start3A_353 = tpu.memref_slice %arg5[%dma_start3A_347, %add3A_336, %dma_start3A_352] : memref<4x2048x1024xf32, #tpu.memory_space<hbm>> -> memref<1x8x1024xf32, #tpu.memory_space<hbm>>
      %dma_start3A_354 = tpu.memref_squeeze %dma_start3A_353 : memref<1x8x1024xf32, #tpu.memory_space<hbm>> -> memref<8x1024xf32, #tpu.memory_space<hbm>>
      %dma_start3A_355 = arith.constant 0 : i32
      %dma_start3A_356 = tpu.memref_slice %arg5[%dma_start3A_347, %add3A_336, %dma_start3A_355] : memref<4x2048x1024xf32, #tpu.memory_space<hbm>> -> memref<1x8x1024xf32, #tpu.memory_space<hbm>>
      %dma_start3A_357 = tpu.memref_squeeze %dma_start3A_356 : memref<1x8x1024xf32, #tpu.memory_space<hbm>> -> memref<8x1024xf32, #tpu.memory_space<hbm>>
      %dma_start3A_358 = arith.constant 0 : i32
      %dma_start3A_359 = arith.constant 0 : i32
      %dma_start3A_360 = tpu.memref_slice %arg7[%dma_start3A_346, %dma_start3A_358, %dma_start3A_359] : memref<2x32x1024xf32, #tpu.memory_space<vmem>> -> memref<1x8x1024xf32, #tpu.memory_space<vmem>>
      %dma_start3A_361 = tpu.memref_squeeze %dma_start3A_360 : memref<1x8x1024xf32, #tpu.memory_space<vmem>> -> memref<8x1024xf32, #tpu.memory_space<vmem>>
      tpu.enqueue_dma source(%dma_start3A_361 : memref<8x1024xf32, #tpu.memory_space<vmem>>) target(%dma_start3A_357 : memref<8x1024xf32, #tpu.memory_space<hbm>>) target_semaphore(%arg12 : memref<!tpu.dma_semaphore, #tpu.memory_space<semaphore_mem>>)
      %dma_start3A_362 = arith.constant 1 : i32
      %dma_start3A_363 = arith.constant 1 : i32
      %dma_start3A_364 = arith.constant 8 : i32
      %dma_start3A_365 = arith.constant 0 : i32
      %dma_start3A_366 = tpu.memref_slice %arg7[%dma_start3A_362, %dma_start3A_364, %dma_start3A_365] : memref<2x32x1024xf32, #tpu.memory_space<vmem>> -> memref<1x8x1024xf32, #tpu.memory_space<vmem>>
      %dma_start3A_367 = tpu.memref_squeeze %dma_start3A_366 : memref<1x8x1024xf32, #tpu.memory_space<vmem>> -> memref<8x1024xf32, #tpu.memory_space<vmem>>
      %dma_start3A_368 = arith.constant 0 : i32
      %dma_start3A_369 = tpu.memref_slice %arg5[%dma_start3A_363, %add3A_339, %dma_start3A_368] : memref<4x2048x1024xf32, #tpu.memory_space<hbm>> -> memref<1x8x1024xf32, #tpu.memory_space<hbm>>
      %dma_start3A_370 = tpu.memref_squeeze %dma_start3A_369 : memref<1x8x1024xf32, #tpu.memory_space<hbm>> -> memref<8x1024xf32, #tpu.memory_space<hbm>>
      %dma_start3A_371 = arith.constant 0 : i32
      %dma_start3A_372 = tpu.memref_slice %arg5[%dma_start3A_363, %add3A_339, %dma_start3A_371] : memref<4x2048x1024xf32, #tpu.memory_space<hbm>> -> memref<1x8x1024xf32, #tpu.memory_space<hbm>>
      %dma_start3A_373 = tpu.memref_squeeze %dma_start3A_372 : memref<1x8x1024xf32, #tpu.memory_space<hbm>> -> memref<8x1024xf32, #tpu.memory_space<hbm>>
      %dma_start3A_374 = arith.constant 8 : i32
      %dma_start3A_375 = arith.constant 0 : i32
      %dma_start3A_376 = tpu.memref_slice %arg7[%dma_start3A_362, %dma_start3A_374, %dma_start3A_375] : memref<2x32x1024xf32, #tpu.memory_space<vmem>> -> memref<1x8x1024xf32, #tpu.memory_space<vmem>>
      %dma_start3A_377 = tpu.memref_squeeze %dma_start3A_376 : memref<1x8x1024xf32, #tpu.memory_space<vmem>> -> memref<8x1024xf32, #tpu.memory_space<vmem>>
      tpu.enqueue_dma source(%dma_start3A_377 : memref<8x1024xf32, #tpu.memory_space<vmem>>) target(%dma_start3A_373 : memref<8x1024xf32, #tpu.memory_space<hbm>>) target_semaphore(%arg12 : memref<!tpu.dma_semaphore, #tpu.memory_space<semaphore_mem>>)
      %dma_start3A_378 = arith.constant 1 : i32
      %dma_start3A_379 = arith.constant 2 : i32
      %dma_start3A_380 = arith.constant 16 : i32
      %dma_start3A_381 = arith.constant 0 : i32
      %dma_start3A_382 = tpu.memref_slice %arg7[%dma_start3A_378, %dma_start3A_380, %dma_start3A_381] : memref<2x32x1024xf32, #tpu.memory_space<vmem>> -> memref<1x8x1024xf32, #tpu.memory_space<vmem>>
      %dma_start3A_383 = tpu.memref_squeeze %dma_start3A_382 : memref<1x8x1024xf32, #tpu.memory_space<vmem>> -> memref<8x1024xf32, #tpu.memory_space<vmem>>
      %dma_start3A_384 = arith.constant 0 : i32
      %dma_start3A_385 = tpu.memref_slice %arg5[%dma_start3A_379, %add3A_342, %dma_start3A_384] : memref<4x2048x1024xf32, #tpu.memory_space<hbm>> -> memref<1x8x1024xf32, #tpu.memory_space<hbm>>
      %dma_start3A_386 = tpu.memref_squeeze %dma_start3A_385 : memref<1x8x1024xf32, #tpu.memory_space<hbm>> -> memref<8x1024xf32, #tpu.memory_space<hbm>>
      %dma_start3A_387 = arith.constant 0 : i32
      %dma_start3A_388 = tpu.memref_slice %arg5[%dma_start3A_379, %add3A_342, %dma_start3A_387] : memref<4x2048x1024xf32, #tpu.memory_space<hbm>> -> memref<1x8x1024xf32, #tpu.memory_space<hbm>>
      %dma_start3A_389 = tpu.memref_squeeze %dma_start3A_388 : memref<1x8x1024xf32, #tpu.memory_space<hbm>> -> memref<8x1024xf32, #tpu.memory_space<hbm>>
      %dma_start3A_390 = arith.constant 16 : i32
      %dma_start3A_391 = arith.constant 0 : i32
      %dma_start3A_392 = tpu.memref_slice %arg7[%dma_start3A_378, %dma_start3A_390, %dma_start3A_391] : memref<2x32x1024xf32, #tpu.memory_space<vmem>> -> memref<1x8x1024xf32, #tpu.memory_space<vmem>>
      %dma_start3A_393 = tpu.memref_squeeze %dma_start3A_392 : memref<1x8x1024xf32, #tpu.memory_space<vmem>> -> memref<8x1024xf32, #tpu.memory_space<vmem>>
      tpu.enqueue_dma source(%dma_start3A_393 : memref<8x1024xf32, #tpu.memory_space<vmem>>) target(%dma_start3A_389 : memref<8x1024xf32, #tpu.memory_space<hbm>>) target_semaphore(%arg12 : memref<!tpu.dma_semaphore, #tpu.memory_space<semaphore_mem>>)
      %dma_start3A_394 = arith.constant 1 : i32
      %dma_start3A_395 = arith.constant 3 : i32
      %dma_start3A_396 = arith.constant 24 : i32
      %dma_start3A_397 = arith.constant 0 : i32
      %dma_start3A_398 = tpu.memref_slice %arg7[%dma_start3A_394, %dma_start3A_396, %dma_start3A_397] : memref<2x32x1024xf32, #tpu.memory_space<vmem>> -> memref<1x8x1024xf32, #tpu.memory_space<vmem>>
      %dma_start3A_399 = tpu.memref_squeeze %dma_start3A_398 : memref<1x8x1024xf32, #tpu.memory_space<vmem>> -> memref<8x1024xf32, #tpu.memory_space<vmem>>
      %dma_start3A_400 = arith.constant 0 : i32
      %dma_start3A_401 = tpu.memref_slice %arg5[%dma_start3A_395, %add3A_345, %dma_start3A_400] : memref<4x2048x1024xf32, #tpu.memory_space<hbm>> -> memref<1x8x1024xf32, #tpu.memory_space<hbm>>
      %dma_start3A_402 = tpu.memref_squeeze %dma_start3A_401 : memref<1x8x1024xf32, #tpu.memory_space<hbm>> -> memref<8x1024xf32, #tpu.memory_space<hbm>>
      %dma_start3A_403 = arith.constant 0 : i32
      %dma_start3A_404 = tpu.memref_slice %arg5[%dma_start3A_395, %add3A_345, %dma_start3A_403] : memref<4x2048x1024xf32, #tpu.memory_space<hbm>> -> memref<1x8x1024xf32, #tpu.memory_space<hbm>>
      %dma_start3A_405 = tpu.memref_squeeze %dma_start3A_404 : memref<1x8x1024xf32, #tpu.memory_space<hbm>> -> memref<8x1024xf32, #tpu.memory_space<hbm>>
      %dma_start3A_406 = arith.constant 24 : i32
      %dma_start3A_407 = arith.constant 0 : i32
      %dma_start3A_408 = tpu.memref_slice %arg7[%dma_start3A_394, %dma_start3A_406, %dma_start3A_407] : memref<2x32x1024xf32, #tpu.memory_space<vmem>> -> memref<1x8x1024xf32, #tpu.memory_space<vmem>>
      %dma_start3A_409 = tpu.memref_squeeze %dma_start3A_408 : memref<1x8x1024xf32, #tpu.memory_space<vmem>> -> memref<8x1024xf32, #tpu.memory_space<vmem>>
      tpu.enqueue_dma source(%dma_start3A_409 : memref<8x1024xf32, #tpu.memory_space<vmem>>) target(%dma_start3A_405 : memref<8x1024xf32, #tpu.memory_space<hbm>>) target_semaphore(%arg12 : memref<!tpu.dma_semaphore, #tpu.memory_space<semaphore_mem>>)
      %scan3A_410 = arith.constant 0 : i32
      scf.yield %scan3A_410 : i32
    }
    %scan3A_34 = arith.constant 4 : i32
    %add3A_35 = arith.constant 48 : i32
    %add3A_36 = arith.addi %mul3A_2, %add3A_35 : i32
    %add3A_37 = arith.constant 48 : i32
    %add3A_38 = arith.addi %mul3A_2, %add3A_37 : i32
    %add3A_39 = arith.constant 48 : i32
    %add3A_40 = arith.addi %mul3A_2, %add3A_39 : i32
    %add3A_41 = arith.constant 48 : i32
    %add3A_42 = arith.addi %mul3A_2, %add3A_41 : i32
    %dma_wait3A = arith.constant 0 : i32
    %dma_wait3A_43 = arith.constant 0 : i32
    %dma_wait3A_44 = arith.constant 0 : i32
    %dma_wait3A_45 = arith.constant 0 : i32
    %dma_wait3A_46 = tpu.memref_slice %arg7[%dma_wait3A, %dma_wait3A_44, %dma_wait3A_45] : memref<2x32x1024xf32, #tpu.memory_space<vmem>> -> memref<1x8x1024xf32, #tpu.memory_space<vmem>>
    %dma_wait3A_47 = tpu.memref_squeeze %dma_wait3A_46 : memref<1x8x1024xf32, #tpu.memory_space<vmem>> -> memref<8x1024xf32, #tpu.memory_space<vmem>>
    %dma_wait3A_48 = arith.constant 0 : i32
    %dma_wait3A_49 = tpu.memref_slice %arg5[%dma_wait3A_43, %add3A_36, %dma_wait3A_48] : memref<4x2048x1024xf32, #tpu.memory_space<hbm>> -> memref<1x8x1024xf32, #tpu.memory_space<hbm>>
    %dma_wait3A_50 = tpu.memref_squeeze %dma_wait3A_49 : memref<1x8x1024xf32, #tpu.memory_space<hbm>> -> memref<8x1024xf32, #tpu.memory_space<hbm>>
    %dma_wait3A_51 = arith.constant 0 : i32
    %dma_wait3A_52 = tpu.memref_slice %arg5[%dma_wait3A_43, %add3A_36, %dma_wait3A_51] : memref<4x2048x1024xf32, #tpu.memory_space<hbm>> -> memref<1x8x1024xf32, #tpu.memory_space<hbm>>
    %dma_wait3A_53 = tpu.memref_squeeze %dma_wait3A_52 : memref<1x8x1024xf32, #tpu.memory_space<hbm>> -> memref<8x1024xf32, #tpu.memory_space<hbm>>
    %dma_wait3A_54 = arith.constant 0 : i32
    %dma_wait3A_55 = arith.constant 0 : i32
    %dma_wait3A_56 = tpu.memref_slice %arg7[%dma_wait3A, %dma_wait3A_54, %dma_wait3A_55] : memref<2x32x1024xf32, #tpu.memory_space<vmem>> -> memref<1x8x1024xf32, #tpu.memory_space<vmem>>
    %dma_wait3A_57 = tpu.memref_squeeze %dma_wait3A_56 : memref<1x8x1024xf32, #tpu.memory_space<vmem>> -> memref<8x1024xf32, #tpu.memory_space<vmem>>
    tpu.wait_dma2 semaphore(%arg11 : memref<!tpu.dma_semaphore, #tpu.memory_space<semaphore_mem>>) src(%dma_wait3A_57 : memref<8x1024xf32, #tpu.memory_space<vmem>>) dst(%dma_wait3A_53 : memref<8x1024xf32, #tpu.memory_space<hbm>>)
    %dma_wait3A_58 = arith.constant 0 : i32
    %dma_wait3A_59 = arith.constant 1 : i32
    %dma_wait3A_60 = arith.constant 8 : i32
    %dma_wait3A_61 = arith.constant 0 : i32
    %dma_wait3A_62 = tpu.memref_slice %arg7[%dma_wait3A_58, %dma_wait3A_60, %dma_wait3A_61] : memref<2x32x1024xf32, #tpu.memory_space<vmem>> -> memref<1x8x1024xf32, #tpu.memory_space<vmem>>
    %dma_wait3A_63 = tpu.memref_squeeze %dma_wait3A_62 : memref<1x8x1024xf32, #tpu.memory_space<vmem>> -> memref<8x1024xf32, #tpu.memory_space<vmem>>
    %dma_wait3A_64 = arith.constant 0 : i32
    %dma_wait3A_65 = tpu.memref_slice %arg5[%dma_wait3A_59, %add3A_38, %dma_wait3A_64] : memref<4x2048x1024xf32, #tpu.memory_space<hbm>> -> memref<1x8x1024xf32, #tpu.memory_space<hbm>>
    %dma_wait3A_66 = tpu.memref_squeeze %dma_wait3A_65 : memref<1x8x1024xf32, #tpu.memory_space<hbm>> -> memref<8x1024xf32, #tpu.memory_space<hbm>>
    %dma_wait3A_67 = arith.constant 0 : i32
    %dma_wait3A_68 = tpu.memref_slice %arg5[%dma_wait3A_59, %add3A_38, %dma_wait3A_67] : memref<4x2048x1024xf32, #tpu.memory_space<hbm>> -> memref<1x8x1024xf32, #tpu.memory_space<hbm>>
    %dma_wait3A_69 = tpu.memref_squeeze %dma_wait3A_68 : memref<1x8x1024xf32, #tpu.memory_space<hbm>> -> memref<8x1024xf32, #tpu.memory_space<hbm>>
    %dma_wait3A_70 = arith.constant 8 : i32
    %dma_wait3A_71 = arith.constant 0 : i32
    %dma_wait3A_72 = tpu.memref_slice %arg7[%dma_wait3A_58, %dma_wait3A_70, %dma_wait3A_71] : memref<2x32x1024xf32, #tpu.memory_space<vmem>> -> memref<1x8x1024xf32, #tpu.memory_space<vmem>>
    %dma_wait3A_73 = tpu.memref_squeeze %dma_wait3A_72 : memref<1x8x1024xf32, #tpu.memory_space<vmem>> -> memref<8x1024xf32, #tpu.memory_space<vmem>>
    tpu.wait_dma2 semaphore(%arg11 : memref<!tpu.dma_semaphore, #tpu.memory_space<semaphore_mem>>) src(%dma_wait3A_73 : memref<8x1024xf32, #tpu.memory_space<vmem>>) dst(%dma_wait3A_69 : memref<8x1024xf32, #tpu.memory_space<hbm>>)
    %dma_wait3A_74 = arith.constant 0 : i32
    %dma_wait3A_75 = arith.constant 2 : i32
    %dma_wait3A_76 = arith.constant 16 : i32
    %dma_wait3A_77 = arith.constant 0 : i32
    %dma_wait3A_78 = tpu.memref_slice %arg7[%dma_wait3A_74, %dma_wait3A_76, %dma_wait3A_77] : memref<2x32x1024xf32, #tpu.memory_space<vmem>> -> memref<1x8x1024xf32, #tpu.memory_space<vmem>>
    %dma_wait3A_79 = tpu.memref_squeeze %dma_wait3A_78 : memref<1x8x1024xf32, #tpu.memory_space<vmem>> -> memref<8x1024xf32, #tpu.memory_space<vmem>>
    %dma_wait3A_80 = arith.constant 0 : i32
    %dma_wait3A_81 = tpu.memref_slice %arg5[%dma_wait3A_75, %add3A_40, %dma_wait3A_80] : memref<4x2048x1024xf32, #tpu.memory_space<hbm>> -> memref<1x8x1024xf32, #tpu.memory_space<hbm>>
    %dma_wait3A_82 = tpu.memref_squeeze %dma_wait3A_81 : memref<1x8x1024xf32, #tpu.memory_space<hbm>> -> memref<8x1024xf32, #tpu.memory_space<hbm>>
    %dma_wait3A_83 = arith.constant 0 : i32
    %dma_wait3A_84 = tpu.memref_slice %arg5[%dma_wait3A_75, %add3A_40, %dma_wait3A_83] : memref<4x2048x1024xf32, #tpu.memory_space<hbm>> -> memref<1x8x1024xf32, #tpu.memory_space<hbm>>
    %dma_wait3A_85 = tpu.memref_squeeze %dma_wait3A_84 : memref<1x8x1024xf32, #tpu.memory_space<hbm>> -> memref<8x1024xf32, #tpu.memory_space<hbm>>
    %dma_wait3A_86 = arith.constant 16 : i32
    %dma_wait3A_87 = arith.constant 0 : i32
    %dma_wait3A_88 = tpu.memref_slice %arg7[%dma_wait3A_74, %dma_wait3A_86, %dma_wait3A_87] : memref<2x32x1024xf32, #tpu.memory_space<vmem>> -> memref<1x8x1024xf32, #tpu.memory_space<vmem>>
    %dma_wait3A_89 = tpu.memref_squeeze %dma_wait3A_88 : memref<1x8x1024xf32, #tpu.memory_space<vmem>> -> memref<8x1024xf32, #tpu.memory_space<vmem>>
    tpu.wait_dma2 semaphore(%arg11 : memref<!tpu.dma_semaphore, #tpu.memory_space<semaphore_mem>>) src(%dma_wait3A_89 : memref<8x1024xf32, #tpu.memory_space<vmem>>) dst(%dma_wait3A_85 : memref<8x1024xf32, #tpu.memory_space<hbm>>)
    %dma_wait3A_90 = arith.constant 0 : i32
    %dma_wait3A_91 = arith.constant 3 : i32
    %dma_wait3A_92 = arith.constant 24 : i32
    %dma_wait3A_93 = arith.constant 0 : i32
    %dma_wait3A_94 = tpu.memref_slice %arg7[%dma_wait3A_90, %dma_wait3A_92, %dma_wait3A_93] : memref<2x32x1024xf32, #tpu.memory_space<vmem>> -> memref<1x8x1024xf32, #tpu.memory_space<vmem>>
    %dma_wait3A_95 = tpu.memref_squeeze %dma_wait3A_94 : memref<1x8x1024xf32, #tpu.memory_space<vmem>> -> memref<8x1024xf32, #tpu.memory_space<vmem>>
    %dma_wait3A_96 = arith.constant 0 : i32
    %dma_wait3A_97 = tpu.memref_slice %arg5[%dma_wait3A_91, %add3A_42, %dma_wait3A_96] : memref<4x2048x1024xf32, #tpu.memory_space<hbm>> -> memref<1x8x1024xf32, #tpu.memory_space<hbm>>
    %dma_wait3A_98 = tpu.memref_squeeze %dma_wait3A_97 : memref<1x8x1024xf32, #tpu.memory_space<hbm>> -> memref<8x1024xf32, #tpu.memory_space<hbm>>
    %dma_wait3A_99 = arith.constant 0 : i32
    %dma_wait3A_100 = tpu.memref_slice %arg5[%dma_wait3A_91, %add3A_42, %dma_wait3A_99] : memref<4x2048x1024xf32, #tpu.memory_space<hbm>> -> memref<1x8x1024xf32, #tpu.memory_space<hbm>>
    %dma_wait3A_101 = tpu.memref_squeeze %dma_wait3A_100 : memref<1x8x1024xf32, #tpu.memory_space<hbm>> -> memref<8x1024xf32, #tpu.memory_space<hbm>>
    %dma_wait3A_102 = arith.constant 24 : i32
    %dma_wait3A_103 = arith.constant 0 : i32
    %dma_wait3A_104 = tpu.memref_slice %arg7[%dma_wait3A_90, %dma_wait3A_102, %dma_wait3A_103] : memref<2x32x1024xf32, #tpu.memory_space<vmem>> -> memref<1x8x1024xf32, #tpu.memory_space<vmem>>
    %dma_wait3A_105 = tpu.memref_squeeze %dma_wait3A_104 : memref<1x8x1024xf32, #tpu.memory_space<vmem>> -> memref<8x1024xf32, #tpu.memory_space<vmem>>
    tpu.wait_dma2 semaphore(%arg11 : memref<!tpu.dma_semaphore, #tpu.memory_space<semaphore_mem>>) src(%dma_wait3A_105 : memref<8x1024xf32, #tpu.memory_space<vmem>>) dst(%dma_wait3A_101 : memref<8x1024xf32, #tpu.memory_space<hbm>>)
    %add3A_106 = arith.constant 56 : i32
    %add3A_107 = arith.addi %mul3A_2, %add3A_106 : i32
    %add3A_108 = arith.constant 56 : i32
    %add3A_109 = arith.addi %mul3A_2, %add3A_108 : i32
    %add3A_110 = arith.constant 56 : i32
    %add3A_111 = arith.addi %mul3A_2, %add3A_110 : i32
    %add3A_112 = arith.constant 56 : i32
    %add3A_113 = arith.addi %mul3A_2, %add3A_112 : i32
    %dma_wait3A_114 = arith.constant 1 : i32
    %dma_wait3A_115 = arith.constant 0 : i32
    %dma_wait3A_116 = arith.constant 0 : i32
    %dma_wait3A_117 = arith.constant 0 : i32
    %dma_wait3A_118 = tpu.memref_slice %arg7[%dma_wait3A_114, %dma_wait3A_116, %dma_wait3A_117] : memref<2x32x1024xf32, #tpu.memory_space<vmem>> -> memref<1x8x1024xf32, #tpu.memory_space<vmem>>
    %dma_wait3A_119 = tpu.memref_squeeze %dma_wait3A_118 : memref<1x8x1024xf32, #tpu.memory_space<vmem>> -> memref<8x1024xf32, #tpu.memory_space<vmem>>
    %dma_wait3A_120 = arith.constant 0 : i32
    %dma_wait3A_121 = tpu.memref_slice %arg5[%dma_wait3A_115, %add3A_107, %dma_wait3A_120] : memref<4x2048x1024xf32, #tpu.memory_space<hbm>> -> memref<1x8x1024xf32, #tpu.memory_space<hbm>>
    %dma_wait3A_122 = tpu.memref_squeeze %dma_wait3A_121 : memref<1x8x1024xf32, #tpu.memory_space<hbm>> -> memref<8x1024xf32, #tpu.memory_space<hbm>>
    %dma_wait3A_123 = arith.constant 0 : i32
    %dma_wait3A_124 = tpu.memref_slice %arg5[%dma_wait3A_115, %add3A_107, %dma_wait3A_123] : memref<4x2048x1024xf32, #tpu.memory_space<hbm>> -> memref<1x8x1024xf32, #tpu.memory_space<hbm>>
    %dma_wait3A_125 = tpu.memref_squeeze %dma_wait3A_124 : memref<1x8x1024xf32, #tpu.memory_space<hbm>> -> memref<8x1024xf32, #tpu.memory_space<hbm>>
    %dma_wait3A_126 = arith.constant 0 : i32
    %dma_wait3A_127 = arith.constant 0 : i32
    %dma_wait3A_128 = tpu.memref_slice %arg7[%dma_wait3A_114, %dma_wait3A_126, %dma_wait3A_127] : memref<2x32x1024xf32, #tpu.memory_space<vmem>> -> memref<1x8x1024xf32, #tpu.memory_space<vmem>>
    %dma_wait3A_129 = tpu.memref_squeeze %dma_wait3A_128 : memref<1x8x1024xf32, #tpu.memory_space<vmem>> -> memref<8x1024xf32, #tpu.memory_space<vmem>>
    tpu.wait_dma2 semaphore(%arg12 : memref<!tpu.dma_semaphore, #tpu.memory_space<semaphore_mem>>) src(%dma_wait3A_129 : memref<8x1024xf32, #tpu.memory_space<vmem>>) dst(%dma_wait3A_125 : memref<8x1024xf32, #tpu.memory_space<hbm>>)
    %dma_wait3A_130 = arith.constant 1 : i32
    %dma_wait3A_131 = arith.constant 1 : i32
    %dma_wait3A_132 = arith.constant 8 : i32
    %dma_wait3A_133 = arith.constant 0 : i32
    %dma_wait3A_134 = tpu.memref_slice %arg7[%dma_wait3A_130, %dma_wait3A_132, %dma_wait3A_133] : memref<2x32x1024xf32, #tpu.memory_space<vmem>> -> memref<1x8x1024xf32, #tpu.memory_space<vmem>>
    %dma_wait3A_135 = tpu.memref_squeeze %dma_wait3A_134 : memref<1x8x1024xf32, #tpu.memory_space<vmem>> -> memref<8x1024xf32, #tpu.memory_space<vmem>>
    %dma_wait3A_136 = arith.constant 0 : i32
    %dma_wait3A_137 = tpu.memref_slice %arg5[%dma_wait3A_131, %add3A_109, %dma_wait3A_136] : memref<4x2048x1024xf32, #tpu.memory_space<hbm>> -> memref<1x8x1024xf32, #tpu.memory_space<hbm>>
    %dma_wait3A_138 = tpu.memref_squeeze %dma_wait3A_137 : memref<1x8x1024xf32, #tpu.memory_space<hbm>> -> memref<8x1024xf32, #tpu.memory_space<hbm>>
    %dma_wait3A_139 = arith.constant 0 : i32
    %dma_wait3A_140 = tpu.memref_slice %arg5[%dma_wait3A_131, %add3A_109, %dma_wait3A_139] : memref<4x2048x1024xf32, #tpu.memory_space<hbm>> -> memref<1x8x1024xf32, #tpu.memory_space<hbm>>
    %dma_wait3A_141 = tpu.memref_squeeze %dma_wait3A_140 : memref<1x8x1024xf32, #tpu.memory_space<hbm>> -> memref<8x1024xf32, #tpu.memory_space<hbm>>
    %dma_wait3A_142 = arith.constant 8 : i32
    %dma_wait3A_143 = arith.constant 0 : i32
    %dma_wait3A_144 = tpu.memref_slice %arg7[%dma_wait3A_130, %dma_wait3A_142, %dma_wait3A_143] : memref<2x32x1024xf32, #tpu.memory_space<vmem>> -> memref<1x8x1024xf32, #tpu.memory_space<vmem>>
    %dma_wait3A_145 = tpu.memref_squeeze %dma_wait3A_144 : memref<1x8x1024xf32, #tpu.memory_space<vmem>> -> memref<8x1024xf32, #tpu.memory_space<vmem>>
    tpu.wait_dma2 semaphore(%arg12 : memref<!tpu.dma_semaphore, #tpu.memory_space<semaphore_mem>>) src(%dma_wait3A_145 : memref<8x1024xf32, #tpu.memory_space<vmem>>) dst(%dma_wait3A_141 : memref<8x1024xf32, #tpu.memory_space<hbm>>)
    %dma_wait3A_146 = arith.constant 1 : i32
    %dma_wait3A_147 = arith.constant 2 : i32
    %dma_wait3A_148 = arith.constant 16 : i32
    %dma_wait3A_149 = arith.constant 0 : i32
    %dma_wait3A_150 = tpu.memref_slice %arg7[%dma_wait3A_146, %dma_wait3A_148, %dma_wait3A_149] : memref<2x32x1024xf32, #tpu.memory_space<vmem>> -> memref<1x8x1024xf32, #tpu.memory_space<vmem>>
    %dma_wait3A_151 = tpu.memref_squeeze %dma_wait3A_150 : memref<1x8x1024xf32, #tpu.memory_space<vmem>> -> memref<8x1024xf32, #tpu.memory_space<vmem>>
    %dma_wait3A_152 = arith.constant 0 : i32
    %dma_wait3A_153 = tpu.memref_slice %arg5[%dma_wait3A_147, %add3A_111, %dma_wait3A_152] : memref<4x2048x1024xf32, #tpu.memory_space<hbm>> -> memref<1x8x1024xf32, #tpu.memory_space<hbm>>
    %dma_wait3A_154 = tpu.memref_squeeze %dma_wait3A_153 : memref<1x8x1024xf32, #tpu.memory_space<hbm>> -> memref<8x1024xf32, #tpu.memory_space<hbm>>
    %dma_wait3A_155 = arith.constant 0 : i32
    %dma_wait3A_156 = tpu.memref_slice %arg5[%dma_wait3A_147, %add3A_111, %dma_wait3A_155] : memref<4x2048x1024xf32, #tpu.memory_space<hbm>> -> memref<1x8x1024xf32, #tpu.memory_space<hbm>>
    %dma_wait3A_157 = tpu.memref_squeeze %dma_wait3A_156 : memref<1x8x1024xf32, #tpu.memory_space<hbm>> -> memref<8x1024xf32, #tpu.memory_space<hbm>>
    %dma_wait3A_158 = arith.constant 16 : i32
    %dma_wait3A_159 = arith.constant 0 : i32
    %dma_wait3A_160 = tpu.memref_slice %arg7[%dma_wait3A_146, %dma_wait3A_158, %dma_wait3A_159] : memref<2x32x1024xf32, #tpu.memory_space<vmem>> -> memref<1x8x1024xf32, #tpu.memory_space<vmem>>
    %dma_wait3A_161 = tpu.memref_squeeze %dma_wait3A_160 : memref<1x8x1024xf32, #tpu.memory_space<vmem>> -> memref<8x1024xf32, #tpu.memory_space<vmem>>
    tpu.wait_dma2 semaphore(%arg12 : memref<!tpu.dma_semaphore, #tpu.memory_space<semaphore_mem>>) src(%dma_wait3A_161 : memref<8x1024xf32, #tpu.memory_space<vmem>>) dst(%dma_wait3A_157 : memref<8x1024xf32, #tpu.memory_space<hbm>>)
    %dma_wait3A_162 = arith.constant 1 : i32
    %dma_wait3A_163 = arith.constant 3 : i32
    %dma_wait3A_164 = arith.constant 24 : i32
    %dma_wait3A_165 = arith.constant 0 : i32
    %dma_wait3A_166 = tpu.memref_slice %arg7[%dma_wait3A_162, %dma_wait3A_164, %dma_wait3A_165] : memref<2x32x1024xf32, #tpu.memory_space<vmem>> -> memref<1x8x1024xf32, #tpu.memory_space<vmem>>
    %dma_wait3A_167 = tpu.memref_squeeze %dma_wait3A_166 : memref<1x8x1024xf32, #tpu.memory_space<vmem>> -> memref<8x1024xf32, #tpu.memory_space<vmem>>
    %dma_wait3A_168 = arith.constant 0 : i32
    %dma_wait3A_169 = tpu.memref_slice %arg5[%dma_wait3A_163, %add3A_113, %dma_wait3A_168] : memref<4x2048x1024xf32, #tpu.memory_space<hbm>> -> memref<1x8x1024xf32, #tpu.memory_space<hbm>>
    %dma_wait3A_170 = tpu.memref_squeeze %dma_wait3A_169 : memref<1x8x1024xf32, #tpu.memory_space<hbm>> -> memref<8x1024xf32, #tpu.memory_space<hbm>>
    %dma_wait3A_171 = arith.constant 0 : i32
    %dma_wait3A_172 = tpu.memref_slice %arg5[%dma_wait3A_163, %add3A_113, %dma_wait3A_171] : memref<4x2048x1024xf32, #tpu.memory_space<hbm>> -> memref<1x8x1024xf32, #tpu.memory_space<hbm>>
    %dma_wait3A_173 = tpu.memref_squeeze %dma_wait3A_172 : memref<1x8x1024xf32, #tpu.memory_space<hbm>> -> memref<8x1024xf32, #tpu.memory_space<hbm>>
    %dma_wait3A_174 = arith.constant 24 : i32
    %dma_wait3A_175 = arith.constant 0 : i32
    %dma_wait3A_176 = tpu.memref_slice %arg7[%dma_wait3A_162, %dma_wait3A_174, %dma_wait3A_175] : memref<2x32x1024xf32, #tpu.memory_space<vmem>> -> memref<1x8x1024xf32, #tpu.memory_space<vmem>>
    %dma_wait3A_177 = tpu.memref_squeeze %dma_wait3A_176 : memref<1x8x1024xf32, #tpu.memory_space<vmem>> -> memref<8x1024xf32, #tpu.memory_space<vmem>>
    tpu.wait_dma2 semaphore(%arg12 : memref<!tpu.dma_semaphore, #tpu.memory_space<semaphore_mem>>) src(%dma_wait3A_177 : memref<8x1024xf32, #tpu.memory_space<vmem>>) dst(%dma_wait3A_173 : memref<8x1024xf32, #tpu.memory_space<hbm>>)
    return
  }
}

</mosaic_0001>

<sc_bundles>
// kernel: _emb.3.cloned.1.call-start
scs
__scs_entry_jumppad:
0x0: {  	(pc) =	sbr.rel $0x88, $3  }
0x1: {  	(tag) =	ssettag $0x0;
	lr =	simm.s32 $0x1  }
0x2: {  	[smem:$0x3F9E] =	sst lr;
	_ =	strace $0xD0000000  }
0x3: {  	_ = 	snop  }
0x4: {  	_ = 	snop  }
0x5: {  	_ = 	snop  }
0x6: {  	_ = 	snop  }
0x7: {  	_ = 	snop  }
__scs_overlays_trampoline_lowered:
0x8: {  	[smem:$0x3FAD] =	sst s0  }
0x9: {  	[smem:$0x3FAE] =	sst s1  }
0xa: {  	[smem:$0x3FAF] =	sst s2  }
0xb: {  	[smem:$0x3FB0] =	sst s3  }
0xc: {  	[smem:$0x3FB1] =	sst s4  }
0xd: {  	[smem:$0x3FB2] =	sst s5  }
0xe: {  	[smem:$0x3FB3] =	sst s6  }
0xf: {  	[smem:$0x3FB4] =	sst s7  }
0x10: {  	[smem:$0x3FB5] =	sst s8  }
0x11: {  	[smem:$0x3FB6] =	sst s9;
	s0 =	simm.s32 @!p0 $0x0  }
0x12: {  	s1 =	sld [smem:$0x3F9C];
	s0 =	simm.s32 @p0 $0x1  }
0x13: {  	[smem:$0x3FB7] =	sst s0;
	s0 =	simm.s32 @!p1 $0x0  }
0x14: {  	s2 =	sld [smem:$0x3F9B];
	s0 =	simm.s32 @p1 $0x1  }
0x15: {  	[smem:$0x3FB8] =	sst s0;
	s0 =	simm.s32 @!p2 $0x0  }
0x16: {  	s3 =	sld [smem:$0x3FDB];
	s0 =	simm.s32 @p2 $0x1  }
0x17: {  	s4 =	simm.s32 $0x1BF5;
	[smem:$0x3FBA] =	sst s0  }
0x18: {  	s0 =	sld [smem:$0x3F9D];
	_ =	swait.ge [sflag:s4], $0x0  }
0x19: {  	s7 =	sld [smem:$0x3F9E]  }
0x1a: {  	s8 =	sadd.s32 $0xFFFFE003, lr  }
0x1b: {  	s9 =	sadd.s32 $0xFFFFFEF7, lr;
	s5 =	simm.s32 $0xFFFFFFFF;
	p2 =	slt.u32 s8, $0xFFFFF086  }
0x1c: {  	p1 =	slt.u32 s9, $0xF7A;
	s5 =	simm.s32 @!p2 $0x0  }
0x1d: {  	s5 =	simm.s32 @p1 $0x1;
	p0 =	seq.s32 s7, s2  }
0x1e: {  	s7 =	smul.u32 @!p0 $0xF7A, s2;
	p2 =	seq.s32 @!p0 s5, $0x0  }
0x1f: {  	s9 =	smul.u32 $0xF7A, s1;
	s8 =	simm.s32 @!p0 $0x1BF5;
	p2 =	por !p2, p0  }
0x20: {  	[sflag:s8] =	ssyncset.s32 @!p0 $0xFFFFF086;
	s6 =	sadd.s32 @!p0 s3, s7;
	s7 =	simm.s32 @!p0 $0x108  }
0x21: {  	s3 =	sadd.s32 s3, s9;
	s6 =	sadd.s32 @!p0 $0x88, s6;
	s7 =	simm.s32 @p2 $0x1082  }
0x22: {  	[simem:s7], [sflag:s8] =	dma.local @!p0 [hbm:s6], $0xF7A  }
0x23: {  	s9 =	sor.u32 $0xD0000000, s2;
	s6 =	simm.s32 $0x108;
	_ =	swait.ge @!p0 [sflag:s8], $0x0  }
0x24: {  	s3 =	sadd.s32 $0x88, s3;
	s6 =	simm.s32 @!p1 $0x1082;
	[sflag:s4] =	ssyncset.s32 $0xFFFFF086  }
0x25: {  	[simem:s6], [sflag:s4] =	dma.local [hbm:s3], $0xF7A  }
0x26: {  	[smem:$0x3F9E] =	sst s1;
	(tag) =	ssettag s2;
	_ =	strace s9  }
0x27: {  	s1 =	sld [smem:$0x3FAE]  }
0x28: {  	s2 =	sld [smem:$0x3FAF]  }
0x29: {  	s4 =	sld [smem:$0x3FB1]  }
0x2a: {  	p0 =	seq.s32 s5, $0x0;
	s5 =	sld [smem:$0x3FB2]  }
0x2b: {  	s6 =	sld [smem:$0x3FB3]  }
0x2c: {  	s7 =	sld [smem:$0x3FB4]  }
0x2d: {  	s3 =	simm.s32 $0x108;
	s8 =	sld [smem:$0x3FB5]  }
0x2e: {  	s3 =	simm.s32 @!p0 $0x1082;
	s9 =	sld [smem:$0x3FB6]  }
0x2f: {  	lr =	sadd.s32 s0, s3;
	s0 =	sld [smem:$0x3FAD]  }
0x30: {  	s3 =	sld [smem:$0x3FB0]  }
0x31: {  	[smem:$0x3FB9] =	sst s10  }
0x32: {  	s10 =	sld [smem:$0x3FB7];
	_ =	sdelay $0x3  }
0x33: {  	p0 =	seq.s32 s10, $0x1;
	s10 =	sld [smem:$0x3FB9];
	_ =	sdelay $0x3  }
0x34: {  	[smem:$0x3FB9] =	sst s10  }
0x35: {  	s10 =	sld [smem:$0x3FB8];
	_ =	sdelay $0x3  }
0x36: {  	p1 =	seq.s32 s10, $0x1;
	s10 =	sld [smem:$0x3FB9];
	_ =	sdelay $0x3  }
0x37: {  	[smem:$0x3FB9] =	sst s10  }
0x38: {  	s10 =	sld [smem:$0x3FBA]  }
0x39: {  	_ = 	snop;
	(pc) =	sbr.ind lr, $3  }
0x3a: {  	_ = 	snop  }
0x3b: {  	_ = 	snop  }
0x3c: {  	p2 =	seq.s32 s10, $0x1;
	s10 =	sld [smem:$0x3FB9]  }
0x3d: {  	_ =	shalt  }
0x3e: {  	_ =	shalt  }
0x3f: {  	_ =	shalt  }
0x40: {  	_ =	shalt  }
0x41: {  	_ =	shalt  }
0x42: {  	_ =	shalt  }
0x43: {  	_ =	shalt  }
0x44: {  	_ =	shalt  }
0x45: {  	_ =	shalt  }
0x46: {  	_ =	shalt  }
0x47: {  	_ =	shalt  }
0x48: {  	_ =	shalt  }
0x49: {  	_ =	shalt  }
0x4a: {  	_ =	shalt  }
0x4b: {  	_ =	shalt  }
0x4c: {  	_ =	shalt  }
0x4d: {  	_ =	shalt  }
0x4e: {  	_ =	shalt  }
0x4f: {  	_ =	shalt  }
0x50: {  	_ =	shalt  }
0x51: {  	_ =	shalt  }
0x52: {  	_ =	shalt  }
0x53: {  	_ =	shalt  }
0x54: {  	_ =	shalt  }
0x55: {  	_ =	shalt  }
0x56: {  	_ =	shalt  }
0x57: {  	_ =	shalt  }
0x58: {  	_ =	shalt  }
0x59: {  	_ =	shalt  }
0x5a: {  	_ =	shalt  }
0x5b: {  	_ =	shalt  }
0x5c: {  	_ =	shalt  }
0x5d: {  	_ =	shalt  }
0x5e: {  	_ =	shalt  }
0x5f: {  	_ =	shalt  }
0x60: {  	_ =	shalt  }
0x61: {  	_ =	shalt  }
0x62: {  	_ =	shalt  }
0x63: {  	_ =	shalt  }
0x64: {  	_ =	shalt  }
0x65: {  	_ =	shalt  }
0x66: {  	_ =	shalt  }
0x67: {  	_ =	shalt  }
0x68: {  	_ =	shalt  }
0x69: {  	_ =	shalt  }
0x6a: {  	_ =	shalt  }
0x6b: {  	_ =	shalt  }
0x6c: {  	_ =	shalt  }
0x6d: {  	_ =	shalt  }
0x6e: {  	_ =	shalt  }
0x6f: {  	_ =	shalt  }
0x70: {  	_ =	shalt  }
0x71: {  	_ =	shalt  }
0x72: {  	_ =	shalt  }
0x73: {  	_ =	shalt  }
0x74: {  	_ =	shalt  }
0x75: {  	_ =	shalt  }
0x76: {  	_ =	shalt  }
0x77: {  	_ =	shalt  }
0x78: {  	_ =	shalt  }
0x79: {  	_ =	shalt  }
0x7a: {  	_ =	shalt  }
0x7b: {  	_ =	shalt  }
0x7c: {  	_ =	shalt  }
0x7d: {  	_ =	shalt  }
0x7e: {  	_ =	shalt  }
0x7f: {  	_ =	shalt  }
0x80: {  	_ =	shalt  }
0x81: {  	_ =	shalt  }
0x82: {  	_ =	shalt  }
0x83: {  	_ =	shalt  }
0x84: {  	_ =	shalt  }
0x85: {  	_ =	shalt  }
0x86: {  	_ =	shalt  }
0x87: {  	_ =	shalt  }
.Lfunc_end0:
.L_simem_size_0:
called_computation_lowered:
.L_overlay_start_0:
0x88: {  	s2 =	sld [smem:$0x3FD9]  }
0x89: {  	s3 =	sld [smem:$0x3FFE];
	_ =	sdelay $0x1  }
0x8a: {  	s1 =	srdreg.scid  }
0x8b: {  	s0 =	sand.u32 $0x1, s1  }
0x8c: {  	s18 =	sshll.u32 s0, $0xA;
	s2 =	sadd.s32 s3, s2  }
0x8d: {  	s2 =	sadd.s32 s2, s18  }
0x8e: {  	[smem:$0x3FC5] =	sst s2  }
0x8f: {  	_ = 	snop  }
0x90: {  	s2 =	sld [smem:$0x3FC9]  }
0x91: {  	s19 =	sld [smem:$0x3FC8]  }
0x92: {  	s4 =	sld [smem:$0x3FC7]  }
0x93: {  	s5 =	sld [smem:$0x3FD0];
	(tm) =	ssettm $0x1  }
0x94: {  	s6 =	sld [smem:$0x3FFB];
	_ =	sdelay $0x3  }
0x95: {  	_ =	strace s6  }
0x96: {  	s6 =	sld [smem:$0x3FFC];
	_ =	sdelay $0x3  }
0x97: {  	_ =	strace s6  }
0x98: {  	s6 =	sld [smem:$0x3FFD];
	_ =	sdelay $0x3  }
0x99: {  	_ =	strace s6  }
0x9a: {  	_ =	strace $0x8FFFFFFF  }
0x9b: {  	s20 =	sld [smem:$0x3FDB];
	_ =	sdelay $0x1  }
0x9c: {  	s7 =	simm.s32 $_scs_section_size  }
0x9d: {  	s8 =	simm.s32 $_size__tile_overlayer_lowered;
	s9 =	simm.s32 $_tile_overlayer_lowered  }
0x9e: {  	s23 =	simm.s32 $0x1BFF;
	s22 =	sshll.u32 s9, $0x1;
	s6 =	sadd.s32 s7, s20  }
0x9f: {  	s10 =	simm.s32 $0x0;
	s21 =	sshll.u32 s8, $0x1;
	s8 =	sadd.s32 s22, s6  }
0xa0: {  	[timem:s10], [sflag:s23] =	dma.local [hbm:s8], s21  }
0xa1: {  	_ =	swait.ge [sflag:s23], s21  }
0xa2: {  	s7 =	ssub.s32 $0x0, s21;
	[sflag:s23] =	ssyncset.done $0x0  }
0xa3: {  	[sflag:s23] =	ssyncadd.s32 s7;
	_ =	sdelay $0x1  }
0xa4: {  	s24 =	simm.s32 $0x1B8B  }
0xa5: {  	_ =	swait.ge [sflag:s24], $0x1  }
0xa6: {  	[sflag:s24] =	ssyncset.done $0x0  }
0xa7: {  	s25 =	simm.s32 $0x1B8E;
	[sflag:s24] =	ssyncadd.s32 $0xFFFFFFFF  }
0xa8: {  	s26 =	simm.s32 $execute0_lowered;
	[smem:$0x3FD2] =	sst s25  }
0xa9: {  	s7 =	sshll.u32 s26, $0x1;
	_ =	strace $0x80000046;
	[dreg:$0x1] =	wrdreg $0xFFFFFFFF  }
0xaa: {  	s28 =	simm.s32 $_size_execute0_lowered;
	s6 =	sadd.s32 s6, s7;
	[dreg:$0x0] =	wrdreg $0x0  }
0xab: {  	s7 =	sshll.u32 s28, $0x1;
	[dreg:$0x2] =	wrdreg s6  }
0xac: {  	[dreg:$0x3] =	wrdreg s7  }
0xad: {  	[dreg:$0x4] =	wrdreg $0xC0  }
0xae: {  	_ =	task [dreg:s10], $0x5FFFF  }
0xaf: {  	[dreg:$0x1] =	wrdreg $0xFFFFFFFF  }
0xb0: {  	[dreg:$0x0] =	wrdreg $0x60  }
0xb1: {  	[dreg:$0x2] =	wrdreg s2  }
0xb2: {  	[dreg:$0x3] =	wrdreg s19  }
0xb3: {  	[dreg:$0x4] =	wrdreg s4  }
0xb4: {  	[dreg:$0x5] =	wrdreg s5  }
0xb5: {  	[dreg:$0x6] =	wrdreg $0x9  }
0xb6: {  	_ =	task.clear_ibuf [dreg:s10], $0x7FFFF;
	_ =	strace $0x90000046  }
0xb7: {  	s29 =	simm.s32 $0x9;
	_ =	strace $0x80000048  }
0xb8: {  	_ =	swait.ge [sflag:s29], $0x1  }
0xb9: {  	[sflag:s29] =	ssyncadd.s32 $0xFFFFFFFF  }
0xba: {  	_ =	strace $0x90000048  }
0xbb: {  	_ =	sfence  }
0xbc: {  	s30 =	sld [smem:$0x0];
	_ =	sdelay $0x2  }
0xbd: {  	s31 =	sshll.u32 s1, $0xD;
	s1 =	sshrl.u32 s1, $0x2  }
0xbe: {  	s3 =	sand.u32 $0x4000, s31;
	s1 =	sadd.s32 s1, s30  }
0xbf: {  	s0 =	sor.u32 s3, s0;
	s1 =	sshll.u32 s1, $0x11  }
0xc0: {  	s0 =	sor.u32 s1, s0  }
0xc1: {  	s0 =	sadd.s32 $0x8F2B, s0  }
0xc2: {  	[sflag:s0] =	ssyncadd.remote.s32 $0x1  }
0xc3: {  	_ =	sfence.sel $0xFFFF  }
0xc4: {  	[dreg:$0x0] =	wrdreg $0xFFFFFFFF;
	(pc) =	sbr.abs _section_cstart, $3  }
0xc5: {  	[dreg:$0x1] =	wrdreg $0xFFFFFFFF  }
0xc6: {  	_ =	task.clear_ibuf [dreg:s10], $0x2FFFF;
	_ =	strace $0x9FFFFFFF  }
0xc7: {  	(tm) =	ssettm $0x7FFFFFFF  }
tec
execute0_lowered:
.L_overlay_start_1:
0x0: {  	(tag) =	ssettag $0x1  }
0x1: {  	s0 =	rddreg [dreg:$0x0]  }
0x2: {  	s1 =	rddreg [dreg:$0x1]  }
0x3: {  	s2 =	rddreg [dreg:$0x2]  }
0x4: {  	s3 =	rddreg [dreg:$0x3];
	s4 =	simm.s32 $0x0;
	s5 =	srdreg.scid  }
0x5: {  	s6 =	stileid.u32;
	s14 =	simm.s32 $0x400;
	s18 =	simm.s32 $0x2400  }
0x6: {  	s22 =	simm.s32 $0x4400;
	s12 =	simm.s32 $0xA400;
	s17 =	simm.s32 $0xC400  }
0x7: {  	s23 =	simm.s32 $0xE400;
	s28 =	simm.s32 $0xFC00;
	s29 =	simm.s32 $0x1  }
0x8: {  	s30 =	simm.s32 $0x2;
	s31 =	simm.s32 $0x3;
	s5 =	sand.u32 $0x1, s5  }
0x9: {  	[smem:$0x7FF] =	sst s4;
	s6 =	sshll.u32 s6, $0x1;
	s7 =	ssub.s32 $0x2, s5  }
0xa: {  	_ =	strace $0x80000047;
	s5 =	sor.u32 s5, s6;
	s25 =	sshrl.u32 s7, $0x1  }
0xb: {  	s8 =	sshll.u32 s5, $0x7;
	s9 =	sshll.u32 s5, $0xD;
	s10 =	sshll.u32 s5, $0x10  }
0xc: {  	s11 =	ssub.s32 s7, s25;
	s0 =	sadd.s32 s0, s8;
	s6 =	sadd.s32 s2, s9  }
0xd: {  	v2 =	vlaneseq.u32;
	s7 =	sadd.s32 $0x100, s1;
	s8 =	sadd.s32 $0x200, s1;
	s9 =	sadd.s32 $0x300, s1  }
0xe: {  	vm0 =	vmmov $0xffff;
	v1 =	vshrl.u32 v2, $0x3;
	[dreg:$0x5] =	wrdreg s0;
	s26 =	smax.u32 s11, $0x1;
	s0 =	simm.s32 $0x8400  }
0xf: {  	v0 =	vand.u32 $0x7, v2;
	v2 =	vor.u32 $0x8, v2;
	v1 =	vmul.u32 $0x8, v1;
	s11 =	simm.s32 $0x0;
	[dreg:$0x6] =	wrdreg s26;
	s26 =	simm.s32 $0x6400  }
.LBB2_1:
0x10: {  	[dreg:$0x7] =	wrdreg s11  }
0x11: {  	s2 =	rddreg [dreg:$0x5];
	s20 =	simm.s32 $0x5  }
0x12: {  	[tilespmem:s4], [sflag:$0x5] =	stream.linear.gather [hbm4b:s2+s4], $0x400, $0x38;
	[tilespmem:$0x14400] =	vst v63  }
0x13: {  	_ =	swait.ge [sflag:s20], $0x400  }
0x14: {  	[sflag:s20] =	ssyncset.done $0x0  }
0x15: {  	s21 =	simm.s32 $0x10400;
	[sflag:s20] =	ssyncadd.s32 $0xFFFFFC00  }
0x16: {  	[tilespmem:s21], [sflag:$0x1] =	stream.linear.gather [hbm4b:s6+s4], $0x2000, $0x38;
	[tilespmem:$0x14400] =	vst v63  }
0x17: {  	v3 =	vld [tilespmem:$0x0];
	_ =	sdelay $0x4  }
0x18: {  	v4 =	vshll.u32 v3, $0x3  }
0x19: {  	v3 =	vand.u32 $0x7, v3;
	v4 =	vand.u32 $0xFFFFFFC0, v4  }
0x1a: {  	v3 =	vor.u32 v3, v4  }
0x1b: {  	v4 =	vperm.xlane v3, v0;
	_ =	sdelay $0x1  }
0x1c: {  	v4 =	vadd.s32 v1, v4;
	_ =	sdelay $0x4  }
0x1d: {  	[tilespmem:s14], [sflag:$0x1] =	stream.indirect_vreg.gather [hbm4b:s1+s4], $0x80, v4, vm0, $0xb8;
	[tilespmem:$0x14400] =	vst v63  }
0x1e: {  	s24 =	simm.s32 $0xC00;
	v3 =	vperm.xlane v3, v2  }
0x1f: {  	[tilespmem:s24], [sflag:$0x1] =	stream.indirect_vreg.gather [hbm4b:s7+s4], $0x80, v4, vm0, $0xb8;
	[tilespmem:$0x14400] =	vst v63  }
0x20: {  	s25 =	simm.s32 $0x1400;
	v3 =	vadd.s32 v1, v3  }
0x21: {  	[tilespmem:s25], [sflag:$0x1] =	stream.indirect_vreg.gather [hbm4b:s8+s4], $0x80, v4, vm0, $0xb8;
	[tilespmem:$0x14400] =	vst v63  }
0x22: {  	s5 =	simm.s32 $0x1C00  }
0x23: {  	[tilespmem:s5], [sflag:$0x1] =	stream.indirect_vreg.gather [hbm4b:s9+s4], $0x80, v4, vm0, $0xb8;
	[tilespmem:$0x14400] =	vst v63  }
0x24: {  	_ = 	snop  }
0x25: {  	[tilespmem:s18], [sflag:$0x1] =	stream.indirect_vreg.gather [hbm4b:s1+s4], $0x80, v3, vm0, $0xb8;
	[tilespmem:$0x14400] =	vst v63  }
0x26: {  	s11 =	simm.s32 $0x2C00  }
0x27: {  	[tilespmem:s11], [sflag:$0x1] =	stream.indirect_vreg.gather [hbm4b:s7+s4], $0x80, v3, vm0, $0xb8;
	[tilespmem:$0x14400] =	vst v63  }
0x28: {  	s13 =	simm.s32 $0x3400  }
0x29: {  	[tilespmem:s13], [sflag:$0x1] =	stream.indirect_vreg.gather [hbm4b:s8+s4], $0x80, v3, vm0, $0xb8;
	[tilespmem:$0x14400] =	vst v63  }
0x2a: {  	s15 =	simm.s32 $0x3C00  }
0x2b: {  	[tilespmem:s15], [sflag:$0x1] =	stream.indirect_vreg.gather [hbm4b:s9+s4], $0x80, v3, vm0, $0xb8;
	[tilespmem:$0x14400] =	vst v63  }
0x2c: {  	v3 =	vld [tilespmem:$0x10];
	_ =	sdelay $0x4  }
0x2d: {  	v63 =	vshll.u32 v3, $0x3  }
0x2e: {  	v3 =	vand.u32 $0x7, v3;
	v4 =	vand.u32 $0xFFFFFFC0, v63  }
0x2f: {  	v3 =	vor.u32 v3, v4  }
0x30: {  	v4 =	vperm.xlane v3, v0;
	_ =	sdelay $0x1  }
0x31: {  	v4 =	vadd.s32 v1, v4;
	_ =	sdelay $0x4  }
0x32: {  	[tilespmem:s22], [sflag:$0x1] =	stream.indirect_vreg.gather [hbm4b:s1+s4], $0x80, v4, vm0, $0xb8;
	[tilespmem:$0x14400] =	vst v63  }
0x33: {  	s16 =	simm.s32 $0x4C00;
	v3 =	vperm.xlane v3, v2  }
0x34: {  	[tilespmem:s16], [sflag:$0x1] =	stream.indirect_vreg.gather [hbm4b:s7+s4], $0x80, v4, vm0, $0xb8;
	[tilespmem:$0x14400] =	vst v63  }
0x35: {  	s19 =	simm.s32 $0x5400;
	v3 =	vadd.s32 v1, v3  }
0x36: {  	[tilespmem:s19], [sflag:$0x1] =	stream.indirect_vreg.gather [hbm4b:s8+s4], $0x80, v4, vm0, $0xb8;
	[tilespmem:$0x14400] =	vst v63  }
0x37: {  	s20 =	simm.s32 $0x5C00  }
0x38: {  	[tilespmem:s20], [sflag:$0x1] =	stream.indirect_vreg.gather [hbm4b:s9+s4], $0x80, v4, vm0, $0xb8;
	[tilespmem:$0x14400] =	vst v63  }
0x39: {  	_ = 	snop  }
0x3a: {  	[tilespmem:s26], [sflag:$0x1] =	stream.indirect_vreg.gather [hbm4b:s1+s4], $0x80, v3, vm0, $0xb8;
	[tilespmem:$0x14400] =	vst v63  }
0x3b: {  	s21 =	simm.s32 $0x6C00  }
0x3c: {  	[tilespmem:s21], [sflag:$0x1] =	stream.indirect_vreg.gather [hbm4b:s7+s4], $0x80, v3, vm0, $0xb8;
	[tilespmem:$0x14400] =	vst v63  }
0x3d: {  	s24 =	simm.s32 $0x7400  }
0x3e: {  	[tilespmem:s24], [sflag:$0x1] =	stream.indirect_vreg.gather [hbm4b:s8+s4], $0x80, v3, vm0, $0xb8;
	[tilespmem:$0x14400] =	vst v63  }
0x3f: {  	s2 =	simm.s32 $0x0;
	s25 =	simm.s32 $0x7C00  }
0x40: {  	[tilespmem:s25], [sflag:$0x1] =	stream.indirect_vreg.gather [hbm4b:s9+s4], $0x80, v3, vm0, $0xb8;
	[tilespmem:$0x14400] =	vst v63  }
.LBB2_2:
0x41: {  	p0 =	seq.s32 s2, $0x0  }
0x42: {  	s11 =	simm.s32 @!p0 $0x4  }
0x43: {  	_ =	swait.ge @!p0 [sflag:s11], $0x2000  }
0x44: {  	[sflag:s11] =	ssyncset.done @!p0 $0x0  }
0x45: {  	[sflag:s11] =	ssyncadd.s32 @!p0 $0xFFFFE000  }
0x46: {  	_ =	swait.ge @!p0 [sflag:s11], $0x2000  }
0x47: {  	[sflag:s11] =	ssyncset.done @!p0 $0x0  }
0x48: {  	[sflag:s11] =	ssyncadd.s32 @!p0 $0xFFFFE000  }
0x49: {  	_ =	swait.ge @!p0 [sflag:s11], $0x2000  }
0x4a: {  	[sflag:s11] =	ssyncset.done @!p0 $0x0  }
0x4b: {  	[sflag:s11] =	ssyncadd.s32 @!p0 $0xFFFFE000  }
0x4c: {  	s5 =	sshllo.u32 s2, $0x1;
	_ =	swait.ge @!p0 [sflag:s11], $0x2000  }
0x4d: {  	s15 =	simm.s32 $0x12400;
	s13 =	sshll.u32 s5, $0xA;
	[sflag:s11] =	ssyncset.done @!p0 $0x0  }
0x4e: {  	s13 =	sadd.s32 s13, s6;
	[sflag:s11] =	ssyncadd.s32 @!p0 $0xFFFFE000;
	s11 =	simm.s32 $0x0  }
0x4f: {  	[tilespmem:s15], [sflag:$0x2] =	stream.linear.gather [hbm4b:s13+s11], $0x2000, $0x38;
	[tilespmem:$0x14400] =	vst v63  }
0x50: {  	s15 =	sshll.u32 s5, $0x7  }
0x51: {  	s13 =	sand.u32 $0x3FFFFF80, s15  }
0x52: {  	v3 =	vld [tilespmem:s13+$0x0];
	_ =	sdelay $0x4  }
0x53: {  	v4 =	vshll.u32 v3, $0x3  }
0x54: {  	v3 =	vand.u32 $0x7, v3;
	v4 =	vand.u32 $0xFFFFFFC0, v4  }
0x55: {  	v3 =	vor.u32 v3, v4  }
0x56: {  	v4 =	vperm.xlane v3, v0;
	_ =	sdelay $0x1  }
0x57: {  	v4 =	vadd.s32 v1, v4;
	_ =	sdelay $0x4  }
0x58: {  	[tilespmem:s0], [sflag:$0x2] =	stream.indirect_vreg.gather [hbm4b:s1+s11], $0x80, v4, vm0, $0xb8;
	[tilespmem:$0x14400] =	vst v63  }
0x59: {  	s16 =	simm.s32 $0x8C00;
	v3 =	vperm.xlane v3, v2  }
0x5a: {  	[tilespmem:s16], [sflag:$0x2] =	stream.indirect_vreg.gather [hbm4b:s7+s11], $0x80, v4, vm0, $0xb8;
	[tilespmem:$0x14400] =	vst v63  }
0x5b: {  	s19 =	simm.s32 $0x9400;
	v3 =	vadd.s32 v1, v3  }
0x5c: {  	[tilespmem:s19], [sflag:$0x2] =	stream.indirect_vreg.gather [hbm4b:s8+s11], $0x80, v4, vm0, $0xb8;
	[tilespmem:$0x14400] =	vst v63  }
0x5d: {  	s20 =	simm.s32 $0x9C00  }
0x5e: {  	[tilespmem:s20], [sflag:$0x2] =	stream.indirect_vreg.gather [hbm4b:s9+s11], $0x80, v4, vm0, $0xb8;
	[tilespmem:$0x14400] =	vst v63  }
0x5f: {  	_ = 	snop  }
0x60: {  	[tilespmem:s12], [sflag:$0x2] =	stream.indirect_vreg.gather [hbm4b:s1+s11], $0x80, v3, vm0, $0xb8;
	[tilespmem:$0x14400] =	vst v63  }
0x61: {  	s21 =	simm.s32 $0xAC00  }
0x62: {  	[tilespmem:s21], [sflag:$0x2] =	stream.indirect_vreg.gather [hbm4b:s7+s11], $0x80, v3, vm0, $0xb8;
	[tilespmem:$0x14400] =	vst v63  }
0x63: {  	s24 =	simm.s32 $0xB400  }
0x64: {  	[tilespmem:s24], [sflag:$0x2] =	stream.indirect_vreg.gather [hbm4b:s8+s11], $0x80, v3, vm0, $0xb8;
	[tilespmem:$0x14400] =	vst v63  }
0x65: {  	s25 =	simm.s32 $0xBC00  }
0x66: {  	[tilespmem:s25], [sflag:$0x2] =	stream.indirect_vreg.gather [hbm4b:s9+s11], $0x80, v3, vm0, $0xb8;
	[tilespmem:$0x14400] =	vst v63  }
0x67: {  	v3 =	vld [tilespmem:s13+$0x10];
	_ =	sdelay $0x4  }
0x68: {  	v4 =	vshll.u32 v3, $0x3  }
0x69: {  	v3 =	vand.u32 $0x7, v3;
	v4 =	vand.u32 $0xFFFFFFC0, v4  }
0x6a: {  	v3 =	vor.u32 v3, v4  }
0x6b: {  	v4 =	vperm.xlane v3, v0;
	_ =	sdelay $0x1  }
0x6c: {  	v4 =	vadd.s32 v1, v4;
	_ =	sdelay $0x4  }
0x6d: {  	[tilespmem:s17], [sflag:$0x2] =	stream.indirect_vreg.gather [hbm4b:s1+s11], $0x80, v4, vm0, $0xb8;
	[tilespmem:$0x14400] =	vst v63  }
0x6e: {  	s15 =	simm.s32 $0xCC00;
	v3 =	vperm.xlane v3, v2  }
0x6f: {  	[tilespmem:s15], [sflag:$0x2] =	stream.indirect_vreg.gather [hbm4b:s7+s11], $0x80, v4, vm0, $0xb8;
	[tilespmem:$0x14400] =	vst v63  }
0x70: {  	s16 =	simm.s32 $0xD400;
	v3 =	vadd.s32 v1, v3  }
0x71: {  	[tilespmem:s16], [sflag:$0x2] =	stream.indirect_vreg.gather [hbm4b:s8+s11], $0x80, v4, vm0, $0xb8;
	[tilespmem:$0x14400] =	vst v63  }
0x72: {  	s19 =	simm.s32 $0xDC00  }
0x73: {  	[tilespmem:s19], [sflag:$0x2] =	stream.indirect_vreg.gather [hbm4b:s9+s11], $0x80, v4, vm0, $0xb8;
	[tilespmem:$0x14400] =	vst v63  }
0x74: {  	_ = 	snop  }
0x75: {  	[tilespmem:s23], [sflag:$0x2] =	stream.indirect_vreg.gather [hbm4b:s1+s11], $0x80, v3, vm0, $0xb8;
	[tilespmem:$0x14400] =	vst v63  }
0x76: {  	s20 =	simm.s32 $0xEC00  }
0x77: {  	[tilespmem:s20], [sflag:$0x2] =	stream.indirect_vreg.gather [hbm4b:s7+s11], $0x80, v3, vm0, $0xb8;
	[tilespmem:$0x14400] =	vst v63  }
0x78: {  	s21 =	simm.s32 $0xF400  }
0x79: {  	[tilespmem:s21], [sflag:$0x2] =	stream.indirect_vreg.gather [hbm4b:s8+s11], $0x80, v3, vm0, $0xb8;
	[tilespmem:$0x14400] =	vst v63  }
0x7a: {  	_ = 	snop  }
0x7b: {  	[tilespmem:s28], [sflag:$0x2] =	stream.indirect_vreg.gather [hbm4b:s9+s11], $0x80, v3, vm0, $0xb8;
	[tilespmem:$0x14400] =	vst v63  }
0x7c: {  	_ =	swait.ge [sflag:s29], $0x2000  }
0x7d: {  	[sflag:s29] =	ssyncset.done $0x0  }
0x7e: {  	[sflag:s29] =	ssyncadd.s32 $0xFFFFE000  }
0x7f: {  	s24 =	simm.s32 $0x0;
	_ =	swait.ge [sflag:s29], $0x8000  }
0x80: {  	s25 =	sand.u32 $0x1C00, s11;
	s16 =	sand.u32 $0xFFFFFF80, s24;
	[sflag:s29] =	ssyncset.done $0x0  }
0x81: {  	s16 =	sadd.s32 s25, s16;
	[sflag:s29] =	ssyncadd.s32 $0xFFFF8000  }
0x82: {  	v3 =	vld [tilespmem:s16+$0x10470]  }
0x83: {  	v5 =	vld [tilespmem:s16+$0x10400]  }
0x84: {  	v6 =	vld [tilespmem:s16+$0x10410]  }
0x85: {  	v7 =	vld [tilespmem:s16+$0x10420]  }
0x86: {  	v8 =	vld [tilespmem:s16+$0x10430]  }
0x87: {  	v9 =	vld [tilespmem:s16+$0x10440]  }
0x88: {  	v10 =	vld [tilespmem:s16+$0x10450]  }
0x89: {  	v4 =	vld [tilespmem:s16+$0x10460]  }
0x8a: {  	[tilespmem:s16+$0x470] =	vst.add.f32.msk $0xffff, v3  }
0x8b: {  	[tilespmem:s16+$0x400] =	vst.add.f32.msk $0xffff, v5  }
0x8c: {  	[tilespmem:s16+$0x410] =	vst.add.f32.msk $0xffff, v6  }
0x8d: {  	[tilespmem:s16+$0x420] =	vst.add.f32.msk $0xffff, v7  }
0x8e: {  	[tilespmem:s16+$0x430] =	vst.add.f32.msk $0xffff, v8  }
0x8f: {  	[tilespmem:s16+$0x440] =	vst.add.f32.msk $0xffff, v9  }
0x90: {  	s13 =	sand.u32 $0x3FFFFF80, s24;
	[tilespmem:s16+$0x450] =	vst.add.f32.msk $0xffff, v10  }
0x91: {  	s15 =	sadd.s32 s25, s13;
	[tilespmem:s16+$0x460] =	vst.add.f32.msk $0xffff, v4  }
0x92: {  	[tilespmem:s15+$0x6470] =	vst.add.f32.msk $0xffff, v3  }
0x93: {  	[tilespmem:s15+$0x2400] =	vst.add.f32.msk $0xffff, v5  }
0x94: {  	[tilespmem:s15+$0x4400] =	vst.add.f32.msk $0xffff, v5  }
0x95: {  	[tilespmem:s15+$0x6400] =	vst.add.f32.msk $0xffff, v5  }
0x96: {  	[tilespmem:s15+$0x2410] =	vst.add.f32.msk $0xffff, v6  }
0x97: {  	[tilespmem:s15+$0x4410] =	vst.add.f32.msk $0xffff, v6  }
0x98: {  	[tilespmem:s15+$0x6410] =	vst.add.f32.msk $0xffff, v6  }
0x99: {  	[tilespmem:s15+$0x2420] =	vst.add.f32.msk $0xffff, v7  }
0x9a: {  	[tilespmem:s15+$0x4420] =	vst.add.f32.msk $0xffff, v7  }
0x9b: {  	[tilespmem:s15+$0x6420] =	vst.add.f32.msk $0xffff, v7  }
0x9c: {  	[tilespmem:s15+$0x2430] =	vst.add.f32.msk $0xffff, v8  }
0x9d: {  	[tilespmem:s15+$0x4430] =	vst.add.f32.msk $0xffff, v8  }
0x9e: {  	[tilespmem:s15+$0x6430] =	vst.add.f32.msk $0xffff, v8  }
0x9f: {  	[tilespmem:s15+$0x2440] =	vst.add.f32.msk $0xffff, v9  }
0xa0: {  	[tilespmem:s15+$0x4440] =	vst.add.f32.msk $0xffff, v9  }
0xa1: {  	[tilespmem:s15+$0x6440] =	vst.add.f32.msk $0xffff, v9  }
0xa2: {  	[tilespmem:s15+$0x2450] =	vst.add.f32.msk $0xffff, v10  }
0xa3: {  	[tilespmem:s15+$0x4450] =	vst.add.f32.msk $0xffff, v10  }
0xa4: {  	[tilespmem:s15+$0x6450] =	vst.add.f32.msk $0xffff, v10  }
0xa5: {  	s13 =	sshll.u32 s2, $0x1;
	s16 =	simm.s32 $0x0;
	[tilespmem:s15+$0x2460] =	vst.add.f32.msk $0xffff, v4  }
.LBB2_3:
0xa6: {  	s16 =	sadd.s32 $0x8, s16;
	[tilespmem:s15+$0x4460] =	vst.add.f32.msk $0xffff, v4  }
0xa7: {  	s11 =	sadd.s32 $0x400, s11;
	s20 =	sshll.u32 s16, $0x1;
	p0 =	slt.u32 s16, $0x1F8;
	[tilespmem:s15+$0x6460] =	vst.add.f32.msk $0xffff, v4  }
0xa8: {  	s21 =	sand.u32 $0x1C00, s11;
	s19 =	sand.u32 $0xFFFFFF80, s20;
	[tilespmem:s15+$0x2470] =	vst.add.f32.msk $0xffff, v3  }
0xa9: {  	s19 =	sadd.s32 s21, s19;
	[tilespmem:s15+$0x4470] =	vst.add.f32.msk $0xffff, v3  }
0xaa: {  	v3 =	vld [tilespmem:s19+$0x10470]  }
0xab: {  	v5 =	vld [tilespmem:s19+$0x10400]  }
0xac: {  	v6 =	vld [tilespmem:s19+$0x10410]  }
0xad: {  	v7 =	vld [tilespmem:s19+$0x10420]  }
0xae: {  	s15 =	sand.u32 $0x3FFFFF80, s20;
	v8 =	vld [tilespmem:s19+$0x10430]  }
0xaf: {  	s15 =	sadd.s32 s21, s15;
	[tilespmem:s19+$0x470] =	vst.add.f32.msk $0xffff, v3  }
0xb0: {  	[tilespmem:s15+$0x6470] =	vst.add.f32.msk $0xffff, v3  }
0xb1: {  	v9 =	vld [tilespmem:s19+$0x10440]  }
0xb2: {  	v10 =	vld [tilespmem:s19+$0x10450]  }
0xb3: {  	v4 =	vld [tilespmem:s19+$0x10460]  }
0xb4: {  	[tilespmem:s19+$0x400] =	vst.add.f32.msk $0xffff, v5  }
0xb5: {  	[tilespmem:s15+$0x2400] =	vst.add.f32.msk $0xffff, v5  }
0xb6: {  	[tilespmem:s15+$0x4400] =	vst.add.f32.msk $0xffff, v5  }
0xb7: {  	[tilespmem:s15+$0x6400] =	vst.add.f32.msk $0xffff, v5  }
0xb8: {  	[tilespmem:s19+$0x410] =	vst.add.f32.msk $0xffff, v6  }
0xb9: {  	[tilespmem:s15+$0x2410] =	vst.add.f32.msk $0xffff, v6  }
0xba: {  	[tilespmem:s15+$0x4410] =	vst.add.f32.msk $0xffff, v6  }
0xbb: {  	[tilespmem:s15+$0x6410] =	vst.add.f32.msk $0xffff, v6  }
0xbc: {  	[tilespmem:s19+$0x420] =	vst.add.f32.msk $0xffff, v7  }
0xbd: {  	[tilespmem:s15+$0x2420] =	vst.add.f32.msk $0xffff, v7  }
0xbe: {  	[tilespmem:s15+$0x4420] =	vst.add.f32.msk $0xffff, v7  }
0xbf: {  	[tilespmem:s15+$0x6420] =	vst.add.f32.msk $0xffff, v7  }
0xc0: {  	[tilespmem:s19+$0x430] =	vst.add.f32.msk $0xffff, v8  }
0xc1: {  	[tilespmem:s15+$0x2430] =	vst.add.f32.msk $0xffff, v8  }
0xc2: {  	[tilespmem:s15+$0x4430] =	vst.add.f32.msk $0xffff, v8  }
0xc3: {  	[tilespmem:s15+$0x6430] =	vst.add.f32.msk $0xffff, v8  }
0xc4: {  	[tilespmem:s19+$0x440] =	vst.add.f32.msk $0xffff, v9  }
0xc5: {  	[tilespmem:s15+$0x2440] =	vst.add.f32.msk $0xffff, v9  }
0xc6: {  	[tilespmem:s15+$0x4440] =	vst.add.f32.msk $0xffff, v9  }
0xc7: {  	[tilespmem:s15+$0x6440] =	vst.add.f32.msk $0xffff, v9  }
0xc8: {  	[tilespmem:s19+$0x450] =	vst.add.f32.msk $0xffff, v10  }
.Ltmp0:
0xc9: {  	[tilespmem:s15+$0x2450] =	vst.add.f32.msk $0xffff, v10;
	(pc) =	sbr.rel @p0 .LBB2_3-.Ltmp0, $4  }
0xca: {  	[tilespmem:s15+$0x4450] =	vst.add.f32.msk $0xffff, v10  }
0xcb: {  	[tilespmem:s15+$0x6450] =	vst.add.f32.msk $0xffff, v10  }
0xcc: {  	[tilespmem:s19+$0x460] =	vst.add.f32.msk $0xffff, v4  }
0xcd: {  	[tilespmem:s15+$0x2460] =	vst.add.f32.msk $0xffff, v4  }
0xce: {  	[tilespmem:s15+$0x4460] =	vst.add.f32.msk $0xffff, v4;
	s11 =	sshll.u32 s2, $0xE  }
0xcf: {  	[tilespmem:s15+$0x6460] =	vst.add.f32.msk $0xffff, v4;
	s11 =	sadd.s32 s10, s11  }
0xd0: {  	[tilespmem:s15+$0x2470] =	vst.add.f32.msk $0xffff, v3;
	s11 =	sshrl.u32 s11, $0x3  }
0xd1: {  	[tilespmem:s15+$0x4470] =	vst.add.f32.msk $0xffff, v3;
	s21 =	sadd.s32 s3, s11;
	s24 =	sor.u32 $0x40000, s11  }
0xd2: {  	[hbm4b:s21+s4] =	stream.linear.scatter [tilespmem:s14], [sflag:$0x3], $0x2000, $0x38;
	[tilespmem:$0x14400] =	vst v63  }
0xd3: {  	p0 =	seq.s32 s2, $0x3;
	s15 =	sadd.s32 s3, s24  }
0xd4: {  	[hbm4b:s15+s4] =	stream.linear.scatter [tilespmem:s18], [sflag:$0x3], $0x2000, $0x38;
	[tilespmem:$0x14400] =	vst v63  }
.Ltmp1:
0xd5: {  	s25 =	sor.u32 $0x80000, s11;
	(pc) =	sbr.rel @p0 .LBB2_6-.Ltmp1, $4  }
0xd6: {  	s11 =	sor.u32 $0xC0000, s11;
	s15 =	sadd.s32 s3, s25  }
0xd7: {  	[hbm4b:s15+s4] =	stream.linear.scatter [tilespmem:s22], [sflag:$0x3], $0x2000, $0x38;
	[tilespmem:$0x14400] =	vst v63  }
0xd8: {  	s11 =	sadd.s32 s3, s11  }
0xd9: {  	[hbm4b:s11+s4] =	stream.linear.scatter [tilespmem:s26], [sflag:$0x3], $0x2000, $0x38;
	[tilespmem:$0x14400] =	vst v63  }
0xda: {  	_ =	swait.ge [sflag:s31], $0x2000  }
0xdb: {  	[sflag:s31] =	ssyncset.done $0x0  }
0xdc: {  	[sflag:s31] =	ssyncadd.s32 $0xFFFFE000  }
0xdd: {  	_ =	swait.ge [sflag:s31], $0x2000  }
0xde: {  	[sflag:s31] =	ssyncset.done $0x0  }
0xdf: {  	[sflag:s31] =	ssyncadd.s32 $0xFFFFE000  }
0xe0: {  	_ =	swait.ge [sflag:s31], $0x2000  }
0xe1: {  	[sflag:s31] =	ssyncset.done $0x0  }
0xe2: {  	[sflag:s31] =	ssyncadd.s32 $0xFFFFE000  }
0xe3: {  	s11 =	sadd.s32 $0x2, s13;
	s15 =	simm.s32 $0x10400;
	_ =	swait.ge [sflag:s31], $0x2000  }
0xe4: {  	s13 =	sshll.u32 s11, $0xA;
	s11 =	sshll.u32 s11, $0x7;
	[sflag:s31] =	ssyncset.done $0x0  }
0xe5: {  	s13 =	sadd.s32 s13, s6;
	s11 =	sand.u32 $0x3FFFFF80, s11;
	[sflag:s31] =	ssyncadd.s32 $0xFFFFE000  }
0xe6: {  	[tilespmem:s15], [sflag:$0x1] =	stream.linear.gather [hbm4b:s13+s4], $0x2000, $0x38;
	[tilespmem:$0x14400] =	vst v63  }
0xe7: {  	v3 =	vld [tilespmem:s11+$0x0];
	_ =	sdelay $0x4  }
0xe8: {  	v4 =	vshll.u32 v3, $0x3  }
0xe9: {  	v3 =	vand.u32 $0x7, v3;
	v4 =	vand.u32 $0xFFFFFFC0, v4  }
0xea: {  	v3 =	vor.u32 v3, v4  }
0xeb: {  	v4 =	vperm.xlane v3, v0;
	_ =	sdelay $0x1  }
0xec: {  	v4 =	vadd.s32 v1, v4;
	_ =	sdelay $0x4  }
0xed: {  	[tilespmem:s14], [sflag:$0x1] =	stream.indirect_vreg.gather [hbm4b:s1+s4], $0x80, v4, vm0, $0xb8;
	[tilespmem:$0x14400] =	vst v63  }
0xee: {  	s19 =	simm.s32 $0xC00;
	v3 =	vperm.xlane v3, v2  }
0xef: {  	[tilespmem:s19], [sflag:$0x1] =	stream.indirect_vreg.gather [hbm4b:s7+s4], $0x80, v4, vm0, $0xb8;
	[tilespmem:$0x14400] =	vst v63  }
0xf0: {  	s20 =	simm.s32 $0x1400;
	v3 =	vadd.s32 v1, v3  }
0xf1: {  	[tilespmem:s20], [sflag:$0x1] =	stream.indirect_vreg.gather [hbm4b:s8+s4], $0x80, v4, vm0, $0xb8;
	[tilespmem:$0x14400] =	vst v63  }
0xf2: {  	s21 =	simm.s32 $0x1C00  }
0xf3: {  	[tilespmem:s21], [sflag:$0x1] =	stream.indirect_vreg.gather [hbm4b:s9+s4], $0x80, v4, vm0, $0xb8;
	[tilespmem:$0x14400] =	vst v63  }
0xf4: {  	_ = 	snop  }
0xf5: {  	[tilespmem:s18], [sflag:$0x1] =	stream.indirect_vreg.gather [hbm4b:s1+s4], $0x80, v3, vm0, $0xb8;
	[tilespmem:$0x14400] =	vst v63  }
0xf6: {  	s24 =	simm.s32 $0x2C00  }
0xf7: {  	[tilespmem:s24], [sflag:$0x1] =	stream.indirect_vreg.gather [hbm4b:s7+s4], $0x80, v3, vm0, $0xb8;
	[tilespmem:$0x14400] =	vst v63  }
0xf8: {  	s25 =	simm.s32 $0x3400  }
0xf9: {  	[tilespmem:s25], [sflag:$0x1] =	stream.indirect_vreg.gather [hbm4b:s8+s4], $0x80, v3, vm0, $0xb8;
	[tilespmem:$0x14400] =	vst v63  }
0xfa: {  	s15 =	simm.s32 $0x3C00  }
0xfb: {  	[tilespmem:s15], [sflag:$0x1] =	stream.indirect_vreg.gather [hbm4b:s9+s4], $0x80, v3, vm0, $0xb8;
	[tilespmem:$0x14400] =	vst v63  }
0xfc: {  	v3 =	vld [tilespmem:s11+$0x10];
	_ =	sdelay $0x4  }
0xfd: {  	v63 =	vshll.u32 v3, $0x3  }
0xfe: {  	v3 =	vand.u32 $0x7, v3;
	v4 =	vand.u32 $0xFFFFFFC0, v63  }
0xff: {  	v3 =	vor.u32 v3, v4  }
0x100: {  	v4 =	vperm.xlane v3, v0;
	_ =	sdelay $0x1  }
0x101: {  	v4 =	vadd.s32 v1, v4;
	_ =	sdelay $0x4  }
0x102: {  	[tilespmem:s22], [sflag:$0x1] =	stream.indirect_vreg.gather [hbm4b:s1+s4], $0x80, v4, vm0, $0xb8;
	[tilespmem:$0x14400] =	vst v63  }
0x103: {  	s16 =	simm.s32 $0x4C00;
	v3 =	vperm.xlane v3, v2  }
0x104: {  	[tilespmem:s16], [sflag:$0x1] =	stream.indirect_vreg.gather [hbm4b:s7+s4], $0x80, v4, vm0, $0xb8;
	[tilespmem:$0x14400] =	vst v63  }
0x105: {  	s19 =	simm.s32 $0x5400;
	v3 =	vadd.s32 v1, v3  }
0x106: {  	[tilespmem:s19], [sflag:$0x1] =	stream.indirect_vreg.gather [hbm4b:s8+s4], $0x80, v4, vm0, $0xb8;
	[tilespmem:$0x14400] =	vst v63  }
0x107: {  	s20 =	simm.s32 $0x5C00  }
0x108: {  	[tilespmem:s20], [sflag:$0x1] =	stream.indirect_vreg.gather [hbm4b:s9+s4], $0x80, v4, vm0, $0xb8;
	[tilespmem:$0x14400] =	vst v63  }
0x109: {  	_ = 	snop  }
0x10a: {  	[tilespmem:s26], [sflag:$0x1] =	stream.indirect_vreg.gather [hbm4b:s1+s4], $0x80, v3, vm0, $0xb8;
	[tilespmem:$0x14400] =	vst v63  }
0x10b: {  	s21 =	simm.s32 $0x6C00  }
0x10c: {  	[tilespmem:s21], [sflag:$0x1] =	stream.indirect_vreg.gather [hbm4b:s7+s4], $0x80, v3, vm0, $0xb8;
	[tilespmem:$0x14400] =	vst v63  }
0x10d: {  	s24 =	simm.s32 $0x7400  }
0x10e: {  	[tilespmem:s24], [sflag:$0x1] =	stream.indirect_vreg.gather [hbm4b:s8+s4], $0x80, v3, vm0, $0xb8;
	[tilespmem:$0x14400] =	vst v63  }
0x10f: {  	s25 =	simm.s32 $0x7C00  }
0x110: {  	[tilespmem:s25], [sflag:$0x1] =	stream.indirect_vreg.gather [hbm4b:s9+s4], $0x80, v3, vm0, $0xb8;
	[tilespmem:$0x14400] =	vst v63  }
.LBB2_6:
0x111: {  	_ =	swait.ge [sflag:s30], $0x2000  }
0x112: {  	[sflag:s30] =	ssyncset.done $0x0  }
0x113: {  	[sflag:s30] =	ssyncadd.s32 $0xFFFFE000  }
0x114: {  	s11 =	simm.s32 $0x0;
	s15 =	simm.s32 $0x0;
	_ =	swait.ge [sflag:s30], $0x8000  }
0x115: {  	s16 =	sand.u32 $0x1C00, s11;
	s19 =	sand.u32 $0xFFFFFF80, s15;
	[sflag:s30] =	ssyncset.done $0x0  }
0x116: {  	s13 =	sadd.s32 s19, s16;
	[sflag:s30] =	ssyncadd.s32 $0xFFFF8000  }
0x117: {  	s20 =	sadd.s32 $0x10400, s13;
	v3 =	vld [tilespmem:s13+$0x12400]  }
0x118: {  	v4 =	vld [tilespmem:s20+$0x2070]  }
0x119: {  	v5 =	vld [tilespmem:s20+$0x2010]  }
0x11a: {  	v6 =	vld [tilespmem:s20+$0x2020]  }
0x11b: {  	v7 =	vld [tilespmem:s20+$0x2030]  }
0x11c: {  	v8 =	vld [tilespmem:s20+$0x2040]  }
0x11d: {  	s21 =	sadd.s32 $0x400, s16;
	v9 =	vld [tilespmem:s20+$0x2050]  }
0x11e: {  	s19 =	sadd.s32 s19, s21;
	v10 =	vld [tilespmem:s20+$0x2060]  }
0x11f: {  	[tilespmem:s19+$0x8070] =	vst.add.f32.msk $0xffff, v4  }
0x120: {  	[tilespmem:s19+$0x8010] =	vst.add.f32.msk $0xffff, v5  }
0x121: {  	[tilespmem:s19+$0x8020] =	vst.add.f32.msk $0xffff, v6  }
0x122: {  	[tilespmem:s19+$0x8030] =	vst.add.f32.msk $0xffff, v7  }
0x123: {  	[tilespmem:s19+$0x8040] =	vst.add.f32.msk $0xffff, v8  }
0x124: {  	s24 =	sand.u32 $0x3FFFFF80, s15;
	[tilespmem:s19+$0x8050] =	vst.add.f32.msk $0xffff, v9  }
0x125: {  	s25 =	sadd.s32 s24, s21;
	[tilespmem:s19+$0x8060] =	vst.add.f32.msk $0xffff, v10  }
0x126: {  	[tilespmem:s25+$0xE070] =	vst.add.f32.msk $0xffff, v4  }
0x127: {  	[tilespmem:s25+$0xA010] =	vst.add.f32.msk $0xffff, v5  }
0x128: {  	[tilespmem:s25+$0xC010] =	vst.add.f32.msk $0xffff, v5  }
0x129: {  	[tilespmem:s25+$0xE010] =	vst.add.f32.msk $0xffff, v5  }
0x12a: {  	[tilespmem:s25+$0xA020] =	vst.add.f32.msk $0xffff, v6  }
0x12b: {  	[tilespmem:s25+$0xC020] =	vst.add.f32.msk $0xffff, v6  }
0x12c: {  	[tilespmem:s25+$0xE020] =	vst.add.f32.msk $0xffff, v6  }
0x12d: {  	[tilespmem:s25+$0xA030] =	vst.add.f32.msk $0xffff, v7  }
0x12e: {  	[tilespmem:s25+$0xC030] =	vst.add.f32.msk $0xffff, v7  }
0x12f: {  	[tilespmem:s25+$0xE030] =	vst.add.f32.msk $0xffff, v7  }
0x130: {  	[tilespmem:s25+$0xA040] =	vst.add.f32.msk $0xffff, v8  }
0x131: {  	[tilespmem:s25+$0xC040] =	vst.add.f32.msk $0xffff, v8  }
0x132: {  	[tilespmem:s25+$0xE040] =	vst.add.f32.msk $0xffff, v8  }
0x133: {  	[tilespmem:s25+$0xA050] =	vst.add.f32.msk $0xffff, v9  }
0x134: {  	[tilespmem:s25+$0xC050] =	vst.add.f32.msk $0xffff, v9  }
0x135: {  	[tilespmem:s25+$0xE050] =	vst.add.f32.msk $0xffff, v9  }
0x136: {  	[tilespmem:s25+$0xA060] =	vst.add.f32.msk $0xffff, v10  }
0x137: {  	[tilespmem:s25+$0xC060] =	vst.add.f32.msk $0xffff, v10  }
0x138: {  	[tilespmem:s25+$0xE060] =	vst.add.f32.msk $0xffff, v10  }
0x139: {  	[tilespmem:s25+$0xA070] =	vst.add.f32.msk $0xffff, v4  }
0x13a: {  	s15 =	simm.s32 $0x0;
	s16 =	sadd.s32 s16, s24;
	[tilespmem:s25+$0xC070] =	vst.add.f32.msk $0xffff, v4  }
.LBB2_7:
0x13b: {  	s15 =	sadd.s32 $0x8, s15;
	[tilespmem:s13+$0x8400] =	vst.add.f32.msk $0xffff, v3  }
0x13c: {  	s11 =	sadd.s32 $0x400, s11;
	s19 =	sshll.u32 s15, $0x1;
	p0 =	slt.u32 s15, $0x1F8;
	[tilespmem:s16+$0xA400] =	vst.add.f32.msk $0xffff, v3  }
0x13d: {  	s20 =	sand.u32 $0x1C00, s11;
	s21 =	sand.u32 $0xFFFFFF80, s19;
	[tilespmem:s16+$0xC400] =	vst.add.f32.msk $0xffff, v3  }
0x13e: {  	s13 =	sadd.s32 s21, s20;
	[tilespmem:s16+$0xE400] =	vst.add.f32.msk $0xffff, v3  }
0x13f: {  	v3 =	vld [tilespmem:s13+$0x12400];
	s24 =	sadd.s32 $0x10400, s13  }
0x140: {  	v4 =	vld [tilespmem:s24+$0x2070]  }
0x141: {  	v5 =	vld [tilespmem:s24+$0x2010]  }
0x142: {  	v6 =	vld [tilespmem:s24+$0x2020]  }
0x143: {  	s25 =	sadd.s32 $0x400, s20;
	v7 =	vld [tilespmem:s24+$0x2030]  }
0x144: {  	s19 =	sand.u32 $0x3FFFFF80, s19;
	s21 =	sadd.s32 s21, s25;
	v8 =	vld [tilespmem:s24+$0x2040]  }
0x145: {  	s16 =	sadd.s32 s20, s19;
	s19 =	sadd.s32 s19, s25;
	[tilespmem:s21+$0x8070] =	vst.add.f32.msk $0xffff, v4  }
0x146: {  	[tilespmem:s19+$0xE070] =	vst.add.f32.msk $0xffff, v4  }
0x147: {  	v9 =	vld [tilespmem:s24+$0x2050]  }
0x148: {  	v10 =	vld [tilespmem:s24+$0x2060]  }
0x149: {  	[tilespmem:s21+$0x8010] =	vst.add.f32.msk $0xffff, v5  }
0x14a: {  	[tilespmem:s19+$0xA010] =	vst.add.f32.msk $0xffff, v5  }
0x14b: {  	[tilespmem:s19+$0xC010] =	vst.add.f32.msk $0xffff, v5  }
0x14c: {  	[tilespmem:s19+$0xE010] =	vst.add.f32.msk $0xffff, v5  }
0x14d: {  	[tilespmem:s21+$0x8020] =	vst.add.f32.msk $0xffff, v6  }
0x14e: {  	[tilespmem:s19+$0xA020] =	vst.add.f32.msk $0xffff, v6  }
0x14f: {  	[tilespmem:s19+$0xC020] =	vst.add.f32.msk $0xffff, v6  }
0x150: {  	[tilespmem:s19+$0xE020] =	vst.add.f32.msk $0xffff, v6  }
0x151: {  	[tilespmem:s21+$0x8030] =	vst.add.f32.msk $0xffff, v7  }
0x152: {  	[tilespmem:s19+$0xA030] =	vst.add.f32.msk $0xffff, v7  }
0x153: {  	[tilespmem:s19+$0xC030] =	vst.add.f32.msk $0xffff, v7  }
0x154: {  	[tilespmem:s19+$0xE030] =	vst.add.f32.msk $0xffff, v7  }
0x155: {  	[tilespmem:s21+$0x8040] =	vst.add.f32.msk $0xffff, v8  }
0x156: {  	[tilespmem:s19+$0xA040] =	vst.add.f32.msk $0xffff, v8  }
0x157: {  	[tilespmem:s19+$0xC040] =	vst.add.f32.msk $0xffff, v8  }
0x158: {  	[tilespmem:s19+$0xE040] =	vst.add.f32.msk $0xffff, v8  }
0x159: {  	[tilespmem:s21+$0x8050] =	vst.add.f32.msk $0xffff, v9  }
0x15a: {  	[tilespmem:s19+$0xA050] =	vst.add.f32.msk $0xffff, v9  }
0x15b: {  	[tilespmem:s19+$0xC050] =	vst.add.f32.msk $0xffff, v9  }
0x15c: {  	[tilespmem:s19+$0xE050] =	vst.add.f32.msk $0xffff, v9  }
0x15d: {  	[tilespmem:s21+$0x8060] =	vst.add.f32.msk $0xffff, v10  }
.Ltmp2:
0x15e: {  	[tilespmem:s19+$0xA060] =	vst.add.f32.msk $0xffff, v10;
	(pc) =	sbr.rel @p0 .LBB2_7-.Ltmp2, $4  }
0x15f: {  	[tilespmem:s19+$0xC060] =	vst.add.f32.msk $0xffff, v10  }
0x160: {  	[tilespmem:s19+$0xE060] =	vst.add.f32.msk $0xffff, v10  }
0x161: {  	[tilespmem:s19+$0xA070] =	vst.add.f32.msk $0xffff, v4  }
0x162: {  	[tilespmem:s19+$0xC070] =	vst.add.f32.msk $0xffff, v4  }
0x163: {  	[tilespmem:s13+$0x8400] =	vst.add.f32.msk $0xffff, v3;
	s5 =	sshll.u32 s5, $0xD  }
0x164: {  	[tilespmem:s16+$0xA400] =	vst.add.f32.msk $0xffff, v3;
	s5 =	sadd.s32 s10, s5  }
0x165: {  	[tilespmem:s16+$0xC400] =	vst.add.f32.msk $0xffff, v3;
	s5 =	sshrl.u32 s5, $0x3  }
0x166: {  	s2 =	sadd.s32 $0x1, s2;
	[tilespmem:s16+$0xE400] =	vst.add.f32.msk $0xffff, v3;
	s11 =	sadd.s32 s3, s5;
	s24 =	sor.u32 $0x40000, s5  }
0x167: {  	[hbm4b:s11+s4] =	stream.linear.scatter [tilespmem:s0], [sflag:$0x4], $0x2000, $0x38;
	[tilespmem:$0x14400] =	vst v63  }
0x168: {  	p0 =	sne.s32 s2, $0x4;
	s11 =	sadd.s32 s3, s24  }
0x169: {  	[hbm4b:s11+s4] =	stream.linear.scatter [tilespmem:s12], [sflag:$0x4], $0x2000, $0x38;
	[tilespmem:$0x14400] =	vst v63  }
.Ltmp3:
0x16a: {  	s25 =	sor.u32 $0x80000, s5;
	(pc) =	sbr.rel @p0 .LBB2_2-.Ltmp3, $4  }
0x16b: {  	s5 =	sor.u32 $0xC0000, s5;
	s11 =	sadd.s32 s3, s25  }
0x16c: {  	[hbm4b:s11+s4] =	stream.linear.scatter [tilespmem:s17], [sflag:$0x4], $0x2000, $0x38;
	[tilespmem:$0x14400] =	vst v63  }
0x16d: {  	s5 =	sadd.s32 s3, s5  }
0x16e: {  	[hbm4b:s5+s4] =	stream.linear.scatter [tilespmem:s23], [sflag:$0x4], $0x2000, $0x38;
	[tilespmem:$0x14400] =	vst v63  }
0x16f: {  	_ =	swait.ge [sflag:s31], $0x2000  }
0x170: {  	[sflag:s31] =	ssyncset.done $0x0  }
0x171: {  	[sflag:s31] =	ssyncadd.s32 $0xFFFFE000  }
0x172: {  	_ =	swait.ge [sflag:s31], $0x2000  }
0x173: {  	[sflag:s31] =	ssyncset.done $0x0  }
0x174: {  	[sflag:s31] =	ssyncadd.s32 $0xFFFFE000  }
0x175: {  	_ =	swait.ge [sflag:s31], $0x2000  }
0x176: {  	[sflag:s31] =	ssyncset.done $0x0  }
0x177: {  	[sflag:s31] =	ssyncadd.s32 $0xFFFFE000  }
0x178: {  	_ =	swait.ge [sflag:s31], $0x2000  }
0x179: {  	[sflag:s31] =	ssyncset.done $0x0  }
0x17a: {  	s5 =	simm.s32 $0x4;
	[sflag:s31] =	ssyncadd.s32 $0xFFFFE000  }
0x17b: {  	_ =	swait.ge [sflag:s5], $0x2000  }
0x17c: {  	[sflag:s5] =	ssyncset.done $0x0  }
0x17d: {  	[sflag:s5] =	ssyncadd.s32 $0xFFFFE000  }
0x17e: {  	_ =	swait.ge [sflag:s5], $0x2000  }
0x17f: {  	[sflag:s5] =	ssyncset.done $0x0  }
0x180: {  	[sflag:s5] =	ssyncadd.s32 $0xFFFFE000  }
0x181: {  	_ =	swait.ge [sflag:s5], $0x2000  }
0x182: {  	[sflag:s5] =	ssyncset.done $0x0  }
0x183: {  	[sflag:s5] =	ssyncadd.s32 $0xFFFFE000  }
0x184: {  	_ =	swait.ge [sflag:s5], $0x2000  }
0x185: {  	s11 =	rddreg [dreg:$0x7]  }
0x186: {  	s2 =	rddreg [dreg:$0x6];
	s11 =	sadd.s32 $0x1, s11  }
0x187: {  	p0 =	sne.s32 s11, s2  }
.Ltmp4:
0x188: {  	_ = 	snop;
	(pc) =	sbr.rel @p0 .LBB2_1-.Ltmp4, $3  }
0x189: {  	_ =	sdelay $0x1  }
0x18a: {  	[sflag:s5] =	ssyncset.done $0x0  }
0x18b: {  	[sflag:s5] =	ssyncadd.s32 $0xFFFFE000  }
0x18c: {  	_ =	sfence.sel $0x180000  }
0x18d: {  	[bflag:$0x0] =	sbarrier.arrive $0xFFFF  }
0x18e: {  	_ =	strace $0x90000047  }
0x18f: {  	s0 =	stileid.u32;
	[bflag:$0x2] =	sbarrier.arrive $0xFFFF  }
0x190: {  	p0 =	sne.s32 s0, $0x0;
	s0 =	rddreg [dreg:$0x4]  }
0x191: {  	s0 =	sadd.s32 @!p0 $0x100000, s0  }
0x192: {  	[sflag:s0] =	ssyncadd.tile.s32 @!p0 $0x1;
	_ =	shalt  }
.Lfunc_end2:
_tile_overlayer_lowered:
.L_overlay_start_2:
0x193: {  	(tag) =	ssettag $0x2  }
0x194: {  	s0 =	rddreg [dreg:$0x0];
	s2 =	stileid.u32  }
0x195: {  	s1 =	rddreg [dreg:$0x1];
	p0 =	sne.s32 s2, $0x0  }
0x196: {  	s3 =	rddreg [dreg:$0x2];
	[bflag:$0x3] =	sbarrier.arrive $0xFFFF;
	s2 =	simm.s32 @!p0 $0x1C05  }
0x197: {  	[timem:s3], [sflag:s2] =	dma.local @!p0 [hbm:s0], s1  }
0x198: {  	s0 =	simm.s32 @!p0 $0x5  }
0x199: {  	_ =	swait.ge @!p0 [sflag:s0], s1  }
0x19a: {  	s1 =	ssub.s32 @!p0 $0x0, s1;
	[sflag:s0] =	ssyncset.done @!p0 $0x0  }
0x19b: {  	[sflag:s0] =	ssyncadd.s32 @!p0 s1  }
0x19c: {  	[bflag:$0x3] =	sbarrier.arrive $0xFFFF  }
0x19d: {  	_ =	shalt  }

</sc_bundles>
